<compile_context>
chip_gen: v7x
topology: tpu7x:2x2x1
jax: 0.10.2.dev20260603
libtpu: 0.0.44.dev20260713+nightly
codegen_flags: <defaults>
</compile_context>

<pallas_src>
import functools

import jax
import jax.numpy as jnp
import numpy as np
from jax import lax
from jax.experimental import pallas as pl
from jax.experimental.pallas import tpu as pltpu
from jax.experimental.pallas import tpu_sc as plsc

NC = 2
NS = 16
NW = NC * NS

RR = 1
K = 4


def _pool_sc(table, x, dstb, zeros, *, B, L, DIM):
    spt = B // NW
    nj = spt // RR
    ng = nj // K
    grows = RR * L

    mesh = plsc.VectorSubcoreMesh(core_axis_name="c", subcore_axis_name="s")

    @functools.partial(
        pl.kernel,
        mesh=mesh,
        compiler_params=pltpu.CompilerParams(use_tc_tiling_on_sc=False),
        out_type=jax.ShapeDtypeStruct((B, DIM), jnp.float32),
        scratch_types=[
            pltpu.VMEM((spt, L), jnp.int32),
            pltpu.VMEM((spt, L), jnp.int32),
            pltpu.VMEM((K * RR * L, DIM), jnp.float32),
            pltpu.VMEM((K * RR * L, DIM), jnp.float32),
            pltpu.VMEM_SHARED((NS * (B // NW), DIM), jnp.float32),
            pltpu.SemaphoreType.DMA,
            pltpu.SemaphoreType.DMA,
            pltpu.SemaphoreType.DMA,
            pltpu.SemaphoreType.DMA,
        ],
    )
    def pool(table_h, x_h, dstb_h, zeros_h, out_h, idx_all, dst_all, rows0,
             rows1, acc, sem0, sem1, ssem0, ssem1):
        c = lax.axis_index("c")
        s = lax.axis_index("s")
        wid = c * NS + s
        row0 = s * spt

        pltpu.sync_copy(x_h.at[pl.ds(wid * spt, spt)], idx_all)
        pltpu.sync_copy(dstb_h.at[pl.ds(s * spt, spt)], dst_all)
        pltpu.sync_copy(zeros_h, acc.at[pl.ds(row0, spt)])

        rows = (rows0, rows1)
        sems = (sem0, sem1)
        ssems = (ssem0, ssem1)

        def fire(g, h):
            for k in range(K):
                j = g * K + k
                pltpu.async_copy(
                    table_h.at[idx_all.at[j]],
                    rows[h].at[pl.ds(k * grows, grows)],
                    sems[h],
                )

        def drain(sem, buf):
            pltpu.make_async_copy(
                table_h.at[pl.ds(0, K * grows)], buf, sem
            ).wait()

        fire(0, 0)

        def outer(gg, carry):
            for hh in range(2):
                g = gg * 2 + hh
                nh = (hh + 1) % 2

                @pl.when(g + 1 < ng)
                def _():
                    @pl.when(g >= 1)
                    def _():
                        drain(ssems[nh], rows[nh])
                    fire(g + 1, nh)

                drain(sems[hh], rows[hh])
                for k in range(K):
                    j = g * K + k
                    pltpu.async_copy(
                        rows[hh].at[pl.ds(k * grows, grows)],
                        acc.at[dst_all.at[j]],
                        ssems[hh],
                        add=True,
                    )
            return carry

        lax.fori_loop(0, ng // 2, outer, 0)
        drain(ssems[0], rows[0])
        drain(ssems[1], rows[1])

        pltpu.sync_copy(acc.at[pl.ds(row0, spt)], out_h.at[pl.ds(wid * spt, spt)])

    return pool(table, x, dstb, zeros)


def _classify_tc(pooled, W, bT, *, B, L, DIM, NCLS, BM):
    inv_l = 1.0 / L

    def body(p_ref, w_ref, b_ref, o_ref):
        o_ref[...] = (
            lax.dot_general(
                w_ref[...], p_ref[...], (((0,), (1,)), ((), ())),
                preferred_element_type=jnp.float32,
            )
            * inv_l
            + b_ref[...]
        )

    logits_t = pl.pallas_call(
        body,
        grid=(B // BM,),
        in_specs=[
            pl.BlockSpec((BM, DIM), lambda i: (i, 0)),
            pl.BlockSpec((DIM, NCLS), lambda i: (0, 0)),
            pl.BlockSpec((NCLS, 1), lambda i: (0, 0)),
        ],
        out_specs=pl.BlockSpec((NCLS, BM), lambda i: (0, i)),
        out_shape=jax.ShapeDtypeStruct((NCLS, B), jnp.float32),
    )(pooled, W, bT)
    return jnp.transpose(logits_t)


def kernel(x, table, W, b):
    B, L = x.shape
    DIM = table.shape[1]
    NCLS = W.shape[1]
    spt = B // NW

    dstb = jnp.asarray(
        np.repeat(np.arange(NS * spt, dtype=np.int32), L).reshape(NS * spt, L))
    zeros = jnp.asarray(np.zeros((spt, DIM), np.float32))
    pooled = _pool_sc(table, x.astype(jnp.int32), dstb, zeros, B=B, L=L, DIM=DIM)
    return _classify_tc(pooled, W, b.reshape(NCLS, 1),
                        B=B, L=L, DIM=DIM, NCLS=NCLS, BM=1024)

# --- scband reference (transcript-rebuilt; emitter-appended) ---
"""Pipeline reference for scband-simple-embedding-classifier-79293686219292 (READ-ONLY COPY).

The authoritative reference and input builder live on the scoring server;
editing this copy changes nothing except your own understanding.
"""

import jax, jax.numpy as jnp
import numpy as np

VOCAB = 1000000
DIM = 64
B = 16384
L = 50
NUM_CLASSES = 1000


def setup_inputs(seed: int = 0) -> dict:
    key = jax.random.key(seed)
    k1, k2, k3 = jax.random.split(key, 3)
    x = jax.random.randint(k1, (B, L), 0, VOCAB)
    table = jax.random.normal(k2, (VOCAB, DIM), dtype=jnp.float32) * 0.02
    W = jax.random.normal(k3, (DIM, NUM_CLASSES), dtype=jnp.float32) * 0.02
    b = jnp.zeros((NUM_CLASSES,), dtype=jnp.float32)
    return {"x": x, "table": table, "W": W, "b": b}


def reference(x, table, W, b):
    # embedding lookup (gather -> SparseCore-friendly)
    embedded = jnp.take(table, x, axis=0)          # [B, L, DIM]
    pooled = jnp.mean(embedded, axis=1)            # [B, DIM]
    logits = pooled @ W + b                        # [B, NUM_CLASSES]
    return logits

if __name__ == "__main__":
    import jax
    _d = setup_inputs()
    print(jax.jit(kernel)(*tuple(_d.values())))

</pallas_src>

<mosaic_0001>
#map = affine_map<(d0, d1) -> (0, 0)>
module attributes {stable_mosaic.version = 14 : i64} {
  func.func @pool(%arg0: i32, %arg1: i32, %arg2: memref<1000000x64xf32, #tpu.memory_space<hbm>>, %arg3: memref<16384x50xi32, #tpu.memory_space<hbm>>, %arg4: memref<8192x50xi32, #tpu.memory_space<hbm>>, %arg5: memref<512x64xf32, #tpu.memory_space<hbm>>, %arg6: memref<16384x64xf32, #tpu.memory_space<hbm>>, %arg7: memref<512x50xi32, #tpu.memory_space<vmem>>, %arg8: memref<512x50xi32, #tpu.memory_space<vmem>>, %arg9: memref<200x64xf32, #tpu.memory_space<vmem>>, %arg10: memref<200x64xf32, #tpu.memory_space<vmem>>, %arg11: memref<8192x64xf32, #tpu.memory_space<vmem_shared>>, %arg12: memref<!tpu.dma_semaphore, #tpu.memory_space<semaphore_mem>>, %arg13: memref<!tpu.dma_semaphore, #tpu.memory_space<semaphore_mem>>, %arg14: memref<!tpu.dma_semaphore, #tpu.memory_space<semaphore_mem>>, %arg15: memref<!tpu.dma_semaphore, #tpu.memory_space<semaphore_mem>>) attributes {dimension_semantics = [#tpu.dimension_semantics<core_parallel>, #tpu.dimension_semantics<subcore_parallel>], iteration_bounds = array<i64: 2, 16>, scalar_prefetch = 0 : i64, scratch_operands = 9 : i64, tpu.core_type = #tpu.core_type<sc_vector_subcore>, window_params = [{transform_indices = #map}, {transform_indices = #map}, {transform_indices = #map}, {transform_indices = #map}, {transform_indices = #map}]} {
    %mul3A = arith.constant 16 : i32
    %mul3A_0 = arith.muli %arg0, %mul3A : i32
    %add3A = arith.addi %mul3A_0, %arg1 : i32
    %mul3A_1 = arith.constant 512 : i32
    %mul3A_2 = arith.muli %arg1, %mul3A_1 : i32
    %mul3A_3 = arith.constant 512 : i32
    %mul3A_4 = arith.muli %add3A, %mul3A_3 : i32
    "tpu.region"() ({
      %run_scoped3A = tpu.sem_alloc : memref<!tpu.dma_semaphore, #tpu.memory_space<semaphore_mem>>
      %dma_start3A_64 = arith.constant 0 : i32
      %dma_start3A_65 = tpu.memref_slice %arg3[%mul3A_4, %dma_start3A_64] : memref<16384x50xi32, #tpu.memory_space<hbm>> -> memref<512x50xi32, #tpu.memory_space<hbm>>
      %dma_start3A_66 = arith.constant 0 : i32
      %dma_start3A_67 = tpu.memref_slice %arg3[%mul3A_4, %dma_start3A_66] : memref<16384x50xi32, #tpu.memory_space<hbm>> -> memref<512x50xi32, #tpu.memory_space<hbm>>
      tpu.enqueue_dma source(%dma_start3A_67 : memref<512x50xi32, #tpu.memory_space<hbm>>) target(%arg7 : memref<512x50xi32, #tpu.memory_space<vmem>>) target_semaphore(%run_scoped3A : memref<!tpu.dma_semaphore, #tpu.memory_space<semaphore_mem>>)
      %dma_wait3A_68 = arith.constant 0 : i32
      %dma_wait3A_69 = tpu.memref_slice %arg3[%mul3A_4, %dma_wait3A_68] : memref<16384x50xi32, #tpu.memory_space<hbm>> -> memref<512x50xi32, #tpu.memory_space<hbm>>
      %dma_wait3A_70 = arith.constant 0 : i32
      %dma_wait3A_71 = tpu.memref_slice %arg3[%mul3A_4, %dma_wait3A_70] : memref<16384x50xi32, #tpu.memory_space<hbm>> -> memref<512x50xi32, #tpu.memory_space<hbm>>
      tpu.wait_dma2 semaphore(%run_scoped3A : memref<!tpu.dma_semaphore, #tpu.memory_space<semaphore_mem>>) src(%dma_wait3A_71 : memref<512x50xi32, #tpu.memory_space<hbm>>) dst(%arg7 : memref<512x50xi32, #tpu.memory_space<vmem>>)
      tpu.yield
    }) : () -> ()
    %mul3A_5 = arith.constant 512 : i32
    %mul3A_6 = arith.muli %arg1, %mul3A_5 : i32
    "tpu.region"() ({
      %run_scoped3A = tpu.sem_alloc : memref<!tpu.dma_semaphore, #tpu.memory_space<semaphore_mem>>
      %dma_start3A_64 = arith.constant 0 : i32
      %dma_start3A_65 = tpu.memref_slice %arg4[%mul3A_6, %dma_start3A_64] : memref<8192x50xi32, #tpu.memory_space<hbm>> -> memref<512x50xi32, #tpu.memory_space<hbm>>
      %dma_start3A_66 = arith.constant 0 : i32
      %dma_start3A_67 = tpu.memref_slice %arg4[%mul3A_6, %dma_start3A_66] : memref<8192x50xi32, #tpu.memory_space<hbm>> -> memref<512x50xi32, #tpu.memory_space<hbm>>
      tpu.enqueue_dma source(%dma_start3A_67 : memref<512x50xi32, #tpu.memory_space<hbm>>) target(%arg8 : memref<512x50xi32, #tpu.memory_space<vmem>>) target_semaphore(%run_scoped3A : memref<!tpu.dma_semaphore, #tpu.memory_space<semaphore_mem>>)
      %dma_wait3A_68 = arith.constant 0 : i32
      %dma_wait3A_69 = tpu.memref_slice %arg4[%mul3A_6, %dma_wait3A_68] : memref<8192x50xi32, #tpu.memory_space<hbm>> -> memref<512x50xi32, #tpu.memory_space<hbm>>
      %dma_wait3A_70 = arith.constant 0 : i32
      %dma_wait3A_71 = tpu.memref_slice %arg4[%mul3A_6, %dma_wait3A_70] : memref<8192x50xi32, #tpu.memory_space<hbm>> -> memref<512x50xi32, #tpu.memory_space<hbm>>
      tpu.wait_dma2 semaphore(%run_scoped3A : memref<!tpu.dma_semaphore, #tpu.memory_space<semaphore_mem>>) src(%dma_wait3A_71 : memref<512x50xi32, #tpu.memory_space<hbm>>) dst(%arg8 : memref<512x50xi32, #tpu.memory_space<vmem>>)
      tpu.yield
    }) : () -> ()
    "tpu.region"() ({
      %run_scoped3A = tpu.sem_alloc : memref<!tpu.dma_semaphore, #tpu.memory_space<semaphore_mem>>
      %dma_start3A_64 = arith.constant 0 : i32
      %dma_start3A_65 = tpu.memref_slice %arg11[%mul3A_2, %dma_start3A_64] : memref<8192x64xf32, #tpu.memory_space<vmem_shared>> -> memref<512x64xf32, #tpu.memory_space<vmem_shared>>
      tpu.enqueue_dma source(%arg5 : memref<512x64xf32, #tpu.memory_space<hbm>>) target(%dma_start3A_65 : memref<512x64xf32, #tpu.memory_space<vmem_shared>>) target_semaphore(%run_scoped3A : memref<!tpu.dma_semaphore, #tpu.memory_space<semaphore_mem>>)
      %dma_wait3A_66 = arith.constant 0 : i32
      %dma_wait3A_67 = tpu.memref_slice %arg11[%mul3A_2, %dma_wait3A_66] : memref<8192x64xf32, #tpu.memory_space<vmem_shared>> -> memref<512x64xf32, #tpu.memory_space<vmem_shared>>
      tpu.wait_dma2 semaphore(%run_scoped3A : memref<!tpu.dma_semaphore, #tpu.memory_space<semaphore_mem>>) src(%arg5 : memref<512x64xf32, #tpu.memory_space<hbm>>) dst(%dma_wait3A_67 : memref<512x64xf32, #tpu.memory_space<vmem_shared>>)
      tpu.yield
    }) : () -> ()
    %dma_start3A = arith.constant 0 : i32
    %dma_start3A_7 = arith.constant 0 : i32
    %dma_start3A_8 = arith.constant 0 : i32
    %dma_start3A_9 = tpu.memref_slice %arg9[%dma_start3A_7, %dma_start3A_8] : memref<200x64xf32, #tpu.memory_space<vmem>> -> memref<50x64xf32, #tpu.memory_space<vmem>>
    %dma_start3A_10 = arith.constant 0 : i32
    %dma_start3A_11 = tpu.memref_slice %arg7[%dma_start3A, %dma_start3A_10] : memref<512x50xi32, #tpu.memory_space<vmem>> -> memref<1x50xi32, #tpu.memory_space<vmem>>
    %dma_start3A_12 = tpu.memref_squeeze %dma_start3A_11 : memref<1x50xi32, #tpu.memory_space<vmem>> -> memref<50xi32, #tpu.memory_space<vmem>>
    %dma_start3A_13 = arith.constant 0 : i32
    %dma_start3A_14 = arith.constant 0 : i32
    %dma_start3A_15 = tpu.memref_slice %arg2[%dma_start3A_13, %dma_start3A_14] : memref<1000000x64xf32, #tpu.memory_space<hbm>> -> memref<1000000x64xf32, #tpu.memory_space<hbm>>
    tpu.enqueue_indirect_dma source(%dma_start3A_15 : memref<1000000x64xf32, #tpu.memory_space<hbm>>) target(%dma_start3A_9 : memref<50x64xf32, #tpu.memory_space<vmem>>) offsets(%dma_start3A_12 : memref<50xi32, #tpu.memory_space<vmem>>) semaphore(%arg12 : memref<!tpu.dma_semaphore, #tpu.memory_space<semaphore_mem>>)
    %dma_start3A_16 = arith.constant 1 : i32
    %dma_start3A_17 = arith.constant 50 : i32
    %dma_start3A_18 = arith.constant 0 : i32
    %dma_start3A_19 = tpu.memref_slice %arg9[%dma_start3A_17, %dma_start3A_18] : memref<200x64xf32, #tpu.memory_space<vmem>> -> memref<50x64xf32, #tpu.memory_space<vmem>>
    %dma_start3A_20 = arith.constant 0 : i32
    %dma_start3A_21 = tpu.memref_slice %arg7[%dma_start3A_16, %dma_start3A_20] : memref<512x50xi32, #tpu.memory_space<vmem>> -> memref<1x50xi32, #tpu.memory_space<vmem>>
    %dma_start3A_22 = tpu.memref_squeeze %dma_start3A_21 : memref<1x50xi32, #tpu.memory_space<vmem>> -> memref<50xi32, #tpu.memory_space<vmem>>
    %dma_start3A_23 = arith.constant 0 : i32
    %dma_start3A_24 = arith.constant 0 : i32
    %dma_start3A_25 = tpu.memref_slice %arg2[%dma_start3A_23, %dma_start3A_24] : memref<1000000x64xf32, #tpu.memory_space<hbm>> -> memref<1000000x64xf32, #tpu.memory_space<hbm>>
    tpu.enqueue_indirect_dma source(%dma_start3A_25 : memref<1000000x64xf32, #tpu.memory_space<hbm>>) target(%dma_start3A_19 : memref<50x64xf32, #tpu.memory_space<vmem>>) offsets(%dma_start3A_22 : memref<50xi32, #tpu.memory_space<vmem>>) semaphore(%arg12 : memref<!tpu.dma_semaphore, #tpu.memory_space<semaphore_mem>>)
    %dma_start3A_26 = arith.constant 2 : i32
    %dma_start3A_27 = arith.constant 100 : i32
    %dma_start3A_28 = arith.constant 0 : i32
    %dma_start3A_29 = tpu.memref_slice %arg9[%dma_start3A_27, %dma_start3A_28] : memref<200x64xf32, #tpu.memory_space<vmem>> -> memref<50x64xf32, #tpu.memory_space<vmem>>
    %dma_start3A_30 = arith.constant 0 : i32
    %dma_start3A_31 = tpu.memref_slice %arg7[%dma_start3A_26, %dma_start3A_30] : memref<512x50xi32, #tpu.memory_space<vmem>> -> memref<1x50xi32, #tpu.memory_space<vmem>>
    %dma_start3A_32 = tpu.memref_squeeze %dma_start3A_31 : memref<1x50xi32, #tpu.memory_space<vmem>> -> memref<50xi32, #tpu.memory_space<vmem>>
    %dma_start3A_33 = arith.constant 0 : i32
    %dma_start3A_34 = arith.constant 0 : i32
    %dma_start3A_35 = tpu.memref_slice %arg2[%dma_start3A_33, %dma_start3A_34] : memref<1000000x64xf32, #tpu.memory_space<hbm>> -> memref<1000000x64xf32, #tpu.memory_space<hbm>>
    tpu.enqueue_indirect_dma source(%dma_start3A_35 : memref<1000000x64xf32, #tpu.memory_space<hbm>>) target(%dma_start3A_29 : memref<50x64xf32, #tpu.memory_space<vmem>>) offsets(%dma_start3A_32 : memref<50xi32, #tpu.memory_space<vmem>>) semaphore(%arg12 : memref<!tpu.dma_semaphore, #tpu.memory_space<semaphore_mem>>)
    %dma_start3A_36 = arith.constant 3 : i32
    %dma_start3A_37 = arith.constant 150 : i32
    %dma_start3A_38 = arith.constant 0 : i32
    %dma_start3A_39 = tpu.memref_slice %arg9[%dma_start3A_37, %dma_start3A_38] : memref<200x64xf32, #tpu.memory_space<vmem>> -> memref<50x64xf32, #tpu.memory_space<vmem>>
    %dma_start3A_40 = arith.constant 0 : i32
    %dma_start3A_41 = tpu.memref_slice %arg7[%dma_start3A_36, %dma_start3A_40] : memref<512x50xi32, #tpu.memory_space<vmem>> -> memref<1x50xi32, #tpu.memory_space<vmem>>
    %dma_start3A_42 = tpu.memref_squeeze %dma_start3A_41 : memref<1x50xi32, #tpu.memory_space<vmem>> -> memref<50xi32, #tpu.memory_space<vmem>>
    %dma_start3A_43 = arith.constant 0 : i32
    %dma_start3A_44 = arith.constant 0 : i32
    %dma_start3A_45 = tpu.memref_slice %arg2[%dma_start3A_43, %dma_start3A_44] : memref<1000000x64xf32, #tpu.memory_space<hbm>> -> memref<1000000x64xf32, #tpu.memory_space<hbm>>
    tpu.enqueue_indirect_dma source(%dma_start3A_45 : memref<1000000x64xf32, #tpu.memory_space<hbm>>) target(%dma_start3A_39 : memref<50x64xf32, #tpu.memory_space<vmem>>) offsets(%dma_start3A_42 : memref<50xi32, #tpu.memory_space<vmem>>) semaphore(%arg12 : memref<!tpu.dma_semaphore, #tpu.memory_space<semaphore_mem>>)
    %scan3A = arith.constant 0 : i32
    %scan3A_46 = arith.constant 0 : i32
    %scan3A_47 = arith.constant 64 : i32
    %scan3A_48 = arith.addi %scan3A_46, %scan3A_47 : i32
    %scan3A_49 = arith.constant 1 : i32
    scf.for %scan3A_64 = %scan3A_46 to %scan3A_48 step %scan3A_49  : i32 {
      %mul3A_65 = arith.constant 2 : i32
      %mul3A_66 = arith.muli %scan3A_64, %mul3A_65 : i32
      %add3A_67 = arith.constant 0 : i32
      %add3A_68 = arith.addi %mul3A_66, %add3A_67 : i32
      %add3A_69 = arith.constant 1 : i32
      %add3A_70 = arith.addi %add3A_68, %add3A_69 : i32
      %lt3A = arith.constant 128 : i32
      %lt3A_71 = arith.cmpi slt, %add3A_70, %lt3A : i32
      %convert_element_type3A = arith.extui %lt3A_71 : i1 to i32
      %cond3A = arith.constant 0 : i32
      %cond3A_72 = arith.cmpi ne, %convert_element_type3A, %cond3A : i32
      scf.if %cond3A_72 {
        %ge3A = arith.constant 1 : i32
        %ge3A_200 = arith.cmpi sge, %add3A_68, %ge3A : i32
        %convert_element_type3A_201 = arith.extui %ge3A_200 : i1 to i32
        %cond3A_202 = arith.constant 0 : i32
        %cond3A_203 = arith.cmpi ne, %convert_element_type3A_201, %cond3A_202 : i32
        scf.if %cond3A_203 {
          %dma_wait3A_258 = arith.constant 0 : i32
          %dma_wait3A_259 = arith.constant 0 : i32
          %dma_wait3A_260 = tpu.memref_slice %arg2[%dma_wait3A_258, %dma_wait3A_259] : memref<1000000x64xf32, #tpu.memory_space<hbm>> -> memref<200x64xf32, #tpu.memory_space<hbm>>
          %dma_wait3A_261 = arith.constant 0 : i32
          %dma_wait3A_262 = arith.constant 0 : i32
          %dma_wait3A_263 = tpu.memref_slice %arg2[%dma_wait3A_261, %dma_wait3A_262] : memref<1000000x64xf32, #tpu.memory_space<hbm>> -> memref<200x64xf32, #tpu.memory_space<hbm>>
          tpu.wait_dma2 semaphore(%arg15 : memref<!tpu.dma_semaphore, #tpu.memory_space<semaphore_mem>>) src(%dma_wait3A_263 : memref<200x64xf32, #tpu.memory_space<hbm>>) dst(%arg10 : memref<200x64xf32, #tpu.memory_space<vmem>>)
        } else {
        }
        %add3A_204 = arith.constant 1 : i32
        %add3A_205 = arith.addi %add3A_68, %add3A_204 : i32
        %mul3A_206 = arith.constant 4 : i32
        %mul3A_207 = arith.muli %add3A_205, %mul3A_206 : i32
        %add3A_208 = arith.constant 0 : i32
        %add3A_209 = arith.addi %mul3A_207, %add3A_208 : i32
        %dma_start3A_210 = arith.constant 0 : i32
        %dma_start3A_211 = arith.constant 0 : i32
        %dma_start3A_212 = tpu.memref_slice %arg10[%dma_start3A_210, %dma_start3A_211] : memref<200x64xf32, #tpu.memory_space<vmem>> -> memref<50x64xf32, #tpu.memory_space<vmem>>
        %dma_start3A_213 = arith.constant 0 : i32
        %dma_start3A_214 = tpu.memref_slice %arg7[%add3A_209, %dma_start3A_213] : memref<512x50xi32, #tpu.memory_space<vmem>> -> memref<1x50xi32, #tpu.memory_space<vmem>>
        %dma_start3A_215 = tpu.memref_squeeze %dma_start3A_214 : memref<1x50xi32, #tpu.memory_space<vmem>> -> memref<50xi32, #tpu.memory_space<vmem>>
        %dma_start3A_216 = arith.constant 0 : i32
        %dma_start3A_217 = arith.constant 0 : i32
        %dma_start3A_218 = tpu.memref_slice %arg2[%dma_start3A_216, %dma_start3A_217] : memref<1000000x64xf32, #tpu.memory_space<hbm>> -> memref<1000000x64xf32, #tpu.memory_space<hbm>>
        tpu.enqueue_indirect_dma source(%dma_start3A_218 : memref<1000000x64xf32, #tpu.memory_space<hbm>>) target(%dma_start3A_212 : memref<50x64xf32, #tpu.memory_space<vmem>>) offsets(%dma_start3A_215 : memref<50xi32, #tpu.memory_space<vmem>>) semaphore(%arg13 : memref<!tpu.dma_semaphore, #tpu.memory_space<semaphore_mem>>)
        %mul3A_219 = arith.constant 4 : i32
        %mul3A_220 = arith.muli %add3A_205, %mul3A_219 : i32
        %add3A_221 = arith.constant 1 : i32
        %add3A_222 = arith.addi %mul3A_220, %add3A_221 : i32
        %dma_start3A_223 = arith.constant 50 : i32
        %dma_start3A_224 = arith.constant 0 : i32
        %dma_start3A_225 = tpu.memref_slice %arg10[%dma_start3A_223, %dma_start3A_224] : memref<200x64xf32, #tpu.memory_space<vmem>> -> memref<50x64xf32, #tpu.memory_space<vmem>>
        %dma_start3A_226 = arith.constant 0 : i32
        %dma_start3A_227 = tpu.memref_slice %arg7[%add3A_222, %dma_start3A_226] : memref<512x50xi32, #tpu.memory_space<vmem>> -> memref<1x50xi32, #tpu.memory_space<vmem>>
        %dma_start3A_228 = tpu.memref_squeeze %dma_start3A_227 : memref<1x50xi32, #tpu.memory_space<vmem>> -> memref<50xi32, #tpu.memory_space<vmem>>
        %dma_start3A_229 = arith.constant 0 : i32
        %dma_start3A_230 = arith.constant 0 : i32
        %dma_start3A_231 = tpu.memref_slice %arg2[%dma_start3A_229, %dma_start3A_230] : memref<1000000x64xf32, #tpu.memory_space<hbm>> -> memref<1000000x64xf32, #tpu.memory_space<hbm>>
        tpu.enqueue_indirect_dma source(%dma_start3A_231 : memref<1000000x64xf32, #tpu.memory_space<hbm>>) target(%dma_start3A_225 : memref<50x64xf32, #tpu.memory_space<vmem>>) offsets(%dma_start3A_228 : memref<50xi32, #tpu.memory_space<vmem>>) semaphore(%arg13 : memref<!tpu.dma_semaphore, #tpu.memory_space<semaphore_mem>>)
        %mul3A_232 = arith.constant 4 : i32
        %mul3A_233 = arith.muli %add3A_205, %mul3A_232 : i32
        %add3A_234 = arith.constant 2 : i32
        %add3A_235 = arith.addi %mul3A_233, %add3A_234 : i32
        %dma_start3A_236 = arith.constant 100 : i32
        %dma_start3A_237 = arith.constant 0 : i32
        %dma_start3A_238 = tpu.memref_slice %arg10[%dma_start3A_236, %dma_start3A_237] : memref<200x64xf32, #tpu.memory_space<vmem>> -> memref<50x64xf32, #tpu.memory_space<vmem>>
        %dma_start3A_239 = arith.constant 0 : i32
        %dma_start3A_240 = tpu.memref_slice %arg7[%add3A_235, %dma_start3A_239] : memref<512x50xi32, #tpu.memory_space<vmem>> -> memref<1x50xi32, #tpu.memory_space<vmem>>
        %dma_start3A_241 = tpu.memref_squeeze %dma_start3A_240 : memref<1x50xi32, #tpu.memory_space<vmem>> -> memref<50xi32, #tpu.memory_space<vmem>>
        %dma_start3A_242 = arith.constant 0 : i32
        %dma_start3A_243 = arith.constant 0 : i32
        %dma_start3A_244 = tpu.memref_slice %arg2[%dma_start3A_242, %dma_start3A_243] : memref<1000000x64xf32, #tpu.memory_space<hbm>> -> memref<1000000x64xf32, #tpu.memory_space<hbm>>
        tpu.enqueue_indirect_dma source(%dma_start3A_244 : memref<1000000x64xf32, #tpu.memory_space<hbm>>) target(%dma_start3A_238 : memref<50x64xf32, #tpu.memory_space<vmem>>) offsets(%dma_start3A_241 : memref<50xi32, #tpu.memory_space<vmem>>) semaphore(%arg13 : memref<!tpu.dma_semaphore, #tpu.memory_space<semaphore_mem>>)
        %mul3A_245 = arith.constant 4 : i32
        %mul3A_246 = arith.muli %add3A_205, %mul3A_245 : i32
        %add3A_247 = arith.constant 3 : i32
        %add3A_248 = arith.addi %mul3A_246, %add3A_247 : i32
        %dma_start3A_249 = arith.constant 150 : i32
        %dma_start3A_250 = arith.constant 0 : i32
        %dma_start3A_251 = tpu.memref_slice %arg10[%dma_start3A_249, %dma_start3A_250] : memref<200x64xf32, #tpu.memory_space<vmem>> -> memref<50x64xf32, #tpu.memory_space<vmem>>
        %dma_start3A_252 = arith.constant 0 : i32
        %dma_start3A_253 = tpu.memref_slice %arg7[%add3A_248, %dma_start3A_252] : memref<512x50xi32, #tpu.memory_space<vmem>> -> memref<1x50xi32, #tpu.memory_space<vmem>>
        %dma_start3A_254 = tpu.memref_squeeze %dma_start3A_253 : memref<1x50xi32, #tpu.memory_space<vmem>> -> memref<50xi32, #tpu.memory_space<vmem>>
        %dma_start3A_255 = arith.constant 0 : i32
        %dma_start3A_256 = arith.constant 0 : i32
        %dma_start3A_257 = tpu.memref_slice %arg2[%dma_start3A_255, %dma_start3A_256] : memref<1000000x64xf32, #tpu.memory_space<hbm>> -> memref<1000000x64xf32, #tpu.memory_space<hbm>>
        tpu.enqueue_indirect_dma source(%dma_start3A_257 : memref<1000000x64xf32, #tpu.memory_space<hbm>>) target(%dma_start3A_251 : memref<50x64xf32, #tpu.memory_space<vmem>>) offsets(%dma_start3A_254 : memref<50xi32, #tpu.memory_space<vmem>>) semaphore(%arg13 : memref<!tpu.dma_semaphore, #tpu.memory_space<semaphore_mem>>)
      } else {
      }
      %dma_wait3A_73 = arith.constant 0 : i32
      %dma_wait3A_74 = arith.constant 0 : i32
      %dma_wait3A_75 = tpu.memref_slice %arg2[%dma_wait3A_73, %dma_wait3A_74] : memref<1000000x64xf32, #tpu.memory_space<hbm>> -> memref<200x64xf32, #tpu.memory_space<hbm>>
      %dma_wait3A_76 = arith.constant 0 : i32
      %dma_wait3A_77 = arith.constant 0 : i32
      %dma_wait3A_78 = tpu.memref_slice %arg2[%dma_wait3A_76, %dma_wait3A_77] : memref<1000000x64xf32, #tpu.memory_space<hbm>> -> memref<200x64xf32, #tpu.memory_space<hbm>>
      tpu.wait_dma2 semaphore(%arg12 : memref<!tpu.dma_semaphore, #tpu.memory_space<semaphore_mem>>) src(%dma_wait3A_78 : memref<200x64xf32, #tpu.memory_space<hbm>>) dst(%arg9 : memref<200x64xf32, #tpu.memory_space<vmem>>)
      %mul3A_79 = arith.constant 4 : i32
      %mul3A_80 = arith.muli %add3A_68, %mul3A_79 : i32
      %add3A_81 = arith.constant 0 : i32
      %add3A_82 = arith.addi %mul3A_80, %add3A_81 : i32
      %dma_start3A_83 = arith.constant 0 : i32
      %dma_start3A_84 = arith.constant 0 : i32
      %dma_start3A_85 = tpu.memref_slice %arg9[%dma_start3A_83, %dma_start3A_84] : memref<200x64xf32, #tpu.memory_space<vmem>> -> memref<50x64xf32, #tpu.memory_space<vmem>>
      %dma_start3A_86 = arith.constant 0 : i32
      %dma_start3A_87 = tpu.memref_slice %arg8[%add3A_82, %dma_start3A_86] : memref<512x50xi32, #tpu.memory_space<vmem>> -> memref<1x50xi32, #tpu.memory_space<vmem>>
      %dma_start3A_88 = tpu.memref_squeeze %dma_start3A_87 : memref<1x50xi32, #tpu.memory_space<vmem>> -> memref<50xi32, #tpu.memory_space<vmem>>
      %dma_start3A_89 = arith.constant 0 : i32
      %dma_start3A_90 = arith.constant 0 : i32
      %dma_start3A_91 = tpu.memref_slice %arg11[%dma_start3A_89, %dma_start3A_90] : memref<8192x64xf32, #tpu.memory_space<vmem_shared>> -> memref<8192x64xf32, #tpu.memory_space<vmem_shared>>
      tpu.enqueue_indirect_dma source(%dma_start3A_85 : memref<50x64xf32, #tpu.memory_space<vmem>>) target(%dma_start3A_91 : memref<8192x64xf32, #tpu.memory_space<vmem_shared>>) offsets(%dma_start3A_88 : memref<50xi32, #tpu.memory_space<vmem>>) semaphore(%arg14 : memref<!tpu.dma_semaphore, #tpu.memory_space<semaphore_mem>>) {add = true}
      %mul3A_92 = arith.constant 4 : i32
      %mul3A_93 = arith.muli %add3A_68, %mul3A_92 : i32
      %add3A_94 = arith.constant 1 : i32
      %add3A_95 = arith.addi %mul3A_93, %add3A_94 : i32
      %dma_start3A_96 = arith.constant 50 : i32
      %dma_start3A_97 = arith.constant 0 : i32
      %dma_start3A_98 = tpu.memref_slice %arg9[%dma_start3A_96, %dma_start3A_97] : memref<200x64xf32, #tpu.memory_space<vmem>> -> memref<50x64xf32, #tpu.memory_space<vmem>>
      %dma_start3A_99 = arith.constant 0 : i32
      %dma_start3A_100 = tpu.memref_slice %arg8[%add3A_95, %dma_start3A_99] : memref<512x50xi32, #tpu.memory_space<vmem>> -> memref<1x50xi32, #tpu.memory_space<vmem>>
      %dma_start3A_101 = tpu.memref_squeeze %dma_start3A_100 : memref<1x50xi32, #tpu.memory_space<vmem>> -> memref<50xi32, #tpu.memory_space<vmem>>
      %dma_start3A_102 = arith.constant 0 : i32
      %dma_start3A_103 = arith.constant 0 : i32
      %dma_start3A_104 = tpu.memref_slice %arg11[%dma_start3A_102, %dma_start3A_103] : memref<8192x64xf32, #tpu.memory_space<vmem_shared>> -> memref<8192x64xf32, #tpu.memory_space<vmem_shared>>
      tpu.enqueue_indirect_dma source(%dma_start3A_98 : memref<50x64xf32, #tpu.memory_space<vmem>>) target(%dma_start3A_104 : memref<8192x64xf32, #tpu.memory_space<vmem_shared>>) offsets(%dma_start3A_101 : memref<50xi32, #tpu.memory_space<vmem>>) semaphore(%arg14 : memref<!tpu.dma_semaphore, #tpu.memory_space<semaphore_mem>>) {add = true}
      %mul3A_105 = arith.constant 4 : i32
      %mul3A_106 = arith.muli %add3A_68, %mul3A_105 : i32
      %add3A_107 = arith.constant 2 : i32
      %add3A_108 = arith.addi %mul3A_106, %add3A_107 : i32
      %dma_start3A_109 = arith.constant 100 : i32
      %dma_start3A_110 = arith.constant 0 : i32
      %dma_start3A_111 = tpu.memref_slice %arg9[%dma_start3A_109, %dma_start3A_110] : memref<200x64xf32, #tpu.memory_space<vmem>> -> memref<50x64xf32, #tpu.memory_space<vmem>>
      %dma_start3A_112 = arith.constant 0 : i32
      %dma_start3A_113 = tpu.memref_slice %arg8[%add3A_108, %dma_start3A_112] : memref<512x50xi32, #tpu.memory_space<vmem>> -> memref<1x50xi32, #tpu.memory_space<vmem>>
      %dma_start3A_114 = tpu.memref_squeeze %dma_start3A_113 : memref<1x50xi32, #tpu.memory_space<vmem>> -> memref<50xi32, #tpu.memory_space<vmem>>
      %dma_start3A_115 = arith.constant 0 : i32
      %dma_start3A_116 = arith.constant 0 : i32
      %dma_start3A_117 = tpu.memref_slice %arg11[%dma_start3A_115, %dma_start3A_116] : memref<8192x64xf32, #tpu.memory_space<vmem_shared>> -> memref<8192x64xf32, #tpu.memory_space<vmem_shared>>
      tpu.enqueue_indirect_dma source(%dma_start3A_111 : memref<50x64xf32, #tpu.memory_space<vmem>>) target(%dma_start3A_117 : memref<8192x64xf32, #tpu.memory_space<vmem_shared>>) offsets(%dma_start3A_114 : memref<50xi32, #tpu.memory_space<vmem>>) semaphore(%arg14 : memref<!tpu.dma_semaphore, #tpu.memory_space<semaphore_mem>>) {add = true}
      %mul3A_118 = arith.constant 4 : i32
      %mul3A_119 = arith.muli %add3A_68, %mul3A_118 : i32
      %add3A_120 = arith.constant 3 : i32
      %add3A_121 = arith.addi %mul3A_119, %add3A_120 : i32
      %dma_start3A_122 = arith.constant 150 : i32
      %dma_start3A_123 = arith.constant 0 : i32
      %dma_start3A_124 = tpu.memref_slice %arg9[%dma_start3A_122, %dma_start3A_123] : memref<200x64xf32, #tpu.memory_space<vmem>> -> memref<50x64xf32, #tpu.memory_space<vmem>>
      %dma_start3A_125 = arith.constant 0 : i32
      %dma_start3A_126 = tpu.memref_slice %arg8[%add3A_121, %dma_start3A_125] : memref<512x50xi32, #tpu.memory_space<vmem>> -> memref<1x50xi32, #tpu.memory_space<vmem>>
      %dma_start3A_127 = tpu.memref_squeeze %dma_start3A_126 : memref<1x50xi32, #tpu.memory_space<vmem>> -> memref<50xi32, #tpu.memory_space<vmem>>
      %dma_start3A_128 = arith.constant 0 : i32
      %dma_start3A_129 = arith.constant 0 : i32
      %dma_start3A_130 = tpu.memref_slice %arg11[%dma_start3A_128, %dma_start3A_129] : memref<8192x64xf32, #tpu.memory_space<vmem_shared>> -> memref<8192x64xf32, #tpu.memory_space<vmem_shared>>
      tpu.enqueue_indirect_dma source(%dma_start3A_124 : memref<50x64xf32, #tpu.memory_space<vmem>>) target(%dma_start3A_130 : memref<8192x64xf32, #tpu.memory_space<vmem_shared>>) offsets(%dma_start3A_127 : memref<50xi32, #tpu.memory_space<vmem>>) semaphore(%arg14 : memref<!tpu.dma_semaphore, #tpu.memory_space<semaphore_mem>>) {add = true}
      %mul3A_131 = arith.constant 2 : i32
      %mul3A_132 = arith.muli %scan3A_64, %mul3A_131 : i32
      %add3A_133 = arith.constant 1 : i32
      %add3A_134 = arith.addi %mul3A_132, %add3A_133 : i32
      %add3A_135 = arith.constant 1 : i32
      %add3A_136 = arith.addi %add3A_134, %add3A_135 : i32
      %lt3A_137 = arith.constant 128 : i32
      %lt3A_138 = arith.cmpi slt, %add3A_136, %lt3A_137 : i32
      %convert_element_type3A_139 = arith.extui %lt3A_138 : i1 to i32
      %cond3A_140 = arith.constant 0 : i32
      %cond3A_141 = arith.cmpi ne, %convert_element_type3A_139, %cond3A_140 : i32
      scf.if %cond3A_141 {
        %ge3A = arith.constant 1 : i32
        %ge3A_200 = arith.cmpi sge, %add3A_134, %ge3A : i32
        %convert_element_type3A_201 = arith.extui %ge3A_200 : i1 to i32
        %cond3A_202 = arith.constant 0 : i32
        %cond3A_203 = arith.cmpi ne, %convert_element_type3A_201, %cond3A_202 : i32
        scf.if %cond3A_203 {
          %dma_wait3A_258 = arith.constant 0 : i32
          %dma_wait3A_259 = arith.constant 0 : i32
          %dma_wait3A_260 = tpu.memref_slice %arg2[%dma_wait3A_258, %dma_wait3A_259] : memref<1000000x64xf32, #tpu.memory_space<hbm>> -> memref<200x64xf32, #tpu.memory_space<hbm>>
          %dma_wait3A_261 = arith.constant 0 : i32
          %dma_wait3A_262 = arith.constant 0 : i32
          %dma_wait3A_263 = tpu.memref_slice %arg2[%dma_wait3A_261, %dma_wait3A_262] : memref<1000000x64xf32, #tpu.memory_space<hbm>> -> memref<200x64xf32, #tpu.memory_space<hbm>>
          tpu.wait_dma2 semaphore(%arg14 : memref<!tpu.dma_semaphore, #tpu.memory_space<semaphore_mem>>) src(%dma_wait3A_263 : memref<200x64xf32, #tpu.memory_space<hbm>>) dst(%arg9 : memref<200x64xf32, #tpu.memory_space<vmem>>)
        } else {
        }
        %add3A_204 = arith.constant 1 : i32
        %add3A_205 = arith.addi %add3A_134, %add3A_204 : i32
        %mul3A_206 = arith.constant 4 : i32
        %mul3A_207 = arith.muli %add3A_205, %mul3A_206 : i32
        %add3A_208 = arith.constant 0 : i32
        %add3A_209 = arith.addi %mul3A_207, %add3A_208 : i32
        %dma_start3A_210 = arith.constant 0 : i32
        %dma_start3A_211 = arith.constant 0 : i32
        %dma_start3A_212 = tpu.memref_slice %arg9[%dma_start3A_210, %dma_start3A_211] : memref<200x64xf32, #tpu.memory_space<vmem>> -> memref<50x64xf32, #tpu.memory_space<vmem>>
        %dma_start3A_213 = arith.constant 0 : i32
        %dma_start3A_214 = tpu.memref_slice %arg7[%add3A_209, %dma_start3A_213] : memref<512x50xi32, #tpu.memory_space<vmem>> -> memref<1x50xi32, #tpu.memory_space<vmem>>
        %dma_start3A_215 = tpu.memref_squeeze %dma_start3A_214 : memref<1x50xi32, #tpu.memory_space<vmem>> -> memref<50xi32, #tpu.memory_space<vmem>>
        %dma_start3A_216 = arith.constant 0 : i32
        %dma_start3A_217 = arith.constant 0 : i32
        %dma_start3A_218 = tpu.memref_slice %arg2[%dma_start3A_216, %dma_start3A_217] : memref<1000000x64xf32, #tpu.memory_space<hbm>> -> memref<1000000x64xf32, #tpu.memory_space<hbm>>
        tpu.enqueue_indirect_dma source(%dma_start3A_218 : memref<1000000x64xf32, #tpu.memory_space<hbm>>) target(%dma_start3A_212 : memref<50x64xf32, #tpu.memory_space<vmem>>) offsets(%dma_start3A_215 : memref<50xi32, #tpu.memory_space<vmem>>) semaphore(%arg12 : memref<!tpu.dma_semaphore, #tpu.memory_space<semaphore_mem>>)
        %mul3A_219 = arith.constant 4 : i32
        %mul3A_220 = arith.muli %add3A_205, %mul3A_219 : i32
        %add3A_221 = arith.constant 1 : i32
        %add3A_222 = arith.addi %mul3A_220, %add3A_221 : i32
        %dma_start3A_223 = arith.constant 50 : i32
        %dma_start3A_224 = arith.constant 0 : i32
        %dma_start3A_225 = tpu.memref_slice %arg9[%dma_start3A_223, %dma_start3A_224] : memref<200x64xf32, #tpu.memory_space<vmem>> -> memref<50x64xf32, #tpu.memory_space<vmem>>
        %dma_start3A_226 = arith.constant 0 : i32
        %dma_start3A_227 = tpu.memref_slice %arg7[%add3A_222, %dma_start3A_226] : memref<512x50xi32, #tpu.memory_space<vmem>> -> memref<1x50xi32, #tpu.memory_space<vmem>>
        %dma_start3A_228 = tpu.memref_squeeze %dma_start3A_227 : memref<1x50xi32, #tpu.memory_space<vmem>> -> memref<50xi32, #tpu.memory_space<vmem>>
        %dma_start3A_229 = arith.constant 0 : i32
        %dma_start3A_230 = arith.constant 0 : i32
        %dma_start3A_231 = tpu.memref_slice %arg2[%dma_start3A_229, %dma_start3A_230] : memref<1000000x64xf32, #tpu.memory_space<hbm>> -> memref<1000000x64xf32, #tpu.memory_space<hbm>>
        tpu.enqueue_indirect_dma source(%dma_start3A_231 : memref<1000000x64xf32, #tpu.memory_space<hbm>>) target(%dma_start3A_225 : memref<50x64xf32, #tpu.memory_space<vmem>>) offsets(%dma_start3A_228 : memref<50xi32, #tpu.memory_space<vmem>>) semaphore(%arg12 : memref<!tpu.dma_semaphore, #tpu.memory_space<semaphore_mem>>)
        %mul3A_232 = arith.constant 4 : i32
        %mul3A_233 = arith.muli %add3A_205, %mul3A_232 : i32
        %add3A_234 = arith.constant 2 : i32
        %add3A_235 = arith.addi %mul3A_233, %add3A_234 : i32
        %dma_start3A_236 = arith.constant 100 : i32
        %dma_start3A_237 = arith.constant 0 : i32
        %dma_start3A_238 = tpu.memref_slice %arg9[%dma_start3A_236, %dma_start3A_237] : memref<200x64xf32, #tpu.memory_space<vmem>> -> memref<50x64xf32, #tpu.memory_space<vmem>>
        %dma_start3A_239 = arith.constant 0 : i32
        %dma_start3A_240 = tpu.memref_slice %arg7[%add3A_235, %dma_start3A_239] : memref<512x50xi32, #tpu.memory_space<vmem>> -> memref<1x50xi32, #tpu.memory_space<vmem>>
        %dma_start3A_241 = tpu.memref_squeeze %dma_start3A_240 : memref<1x50xi32, #tpu.memory_space<vmem>> -> memref<50xi32, #tpu.memory_space<vmem>>
        %dma_start3A_242 = arith.constant 0 : i32
        %dma_start3A_243 = arith.constant 0 : i32
        %dma_start3A_244 = tpu.memref_slice %arg2[%dma_start3A_242, %dma_start3A_243] : memref<1000000x64xf32, #tpu.memory_space<hbm>> -> memref<1000000x64xf32, #tpu.memory_space<hbm>>
        tpu.enqueue_indirect_dma source(%dma_start3A_244 : memref<1000000x64xf32, #tpu.memory_space<hbm>>) target(%dma_start3A_238 : memref<50x64xf32, #tpu.memory_space<vmem>>) offsets(%dma_start3A_241 : memref<50xi32, #tpu.memory_space<vmem>>) semaphore(%arg12 : memref<!tpu.dma_semaphore, #tpu.memory_space<semaphore_mem>>)
        %mul3A_245 = arith.constant 4 : i32
        %mul3A_246 = arith.muli %add3A_205, %mul3A_245 : i32
        %add3A_247 = arith.constant 3 : i32
        %add3A_248 = arith.addi %mul3A_246, %add3A_247 : i32
        %dma_start3A_249 = arith.constant 150 : i32
        %dma_start3A_250 = arith.constant 0 : i32
        %dma_start3A_251 = tpu.memref_slice %arg9[%dma_start3A_249, %dma_start3A_250] : memref<200x64xf32, #tpu.memory_space<vmem>> -> memref<50x64xf32, #tpu.memory_space<vmem>>
        %dma_start3A_252 = arith.constant 0 : i32
        %dma_start3A_253 = tpu.memref_slice %arg7[%add3A_248, %dma_start3A_252] : memref<512x50xi32, #tpu.memory_space<vmem>> -> memref<1x50xi32, #tpu.memory_space<vmem>>
        %dma_start3A_254 = tpu.memref_squeeze %dma_start3A_253 : memref<1x50xi32, #tpu.memory_space<vmem>> -> memref<50xi32, #tpu.memory_space<vmem>>
        %dma_start3A_255 = arith.constant 0 : i32
        %dma_start3A_256 = arith.constant 0 : i32
        %dma_start3A_257 = tpu.memref_slice %arg2[%dma_start3A_255, %dma_start3A_256] : memref<1000000x64xf32, #tpu.memory_space<hbm>> -> memref<1000000x64xf32, #tpu.memory_space<hbm>>
        tpu.enqueue_indirect_dma source(%dma_start3A_257 : memref<1000000x64xf32, #tpu.memory_space<hbm>>) target(%dma_start3A_251 : memref<50x64xf32, #tpu.memory_space<vmem>>) offsets(%dma_start3A_254 : memref<50xi32, #tpu.memory_space<vmem>>) semaphore(%arg12 : memref<!tpu.dma_semaphore, #tpu.memory_space<semaphore_mem>>)
      } else {
      }
      %dma_wait3A_142 = arith.constant 0 : i32
      %dma_wait3A_143 = arith.constant 0 : i32
      %dma_wait3A_144 = tpu.memref_slice %arg2[%dma_wait3A_142, %dma_wait3A_143] : memref<1000000x64xf32, #tpu.memory_space<hbm>> -> memref<200x64xf32, #tpu.memory_space<hbm>>
      %dma_wait3A_145 = arith.constant 0 : i32
      %dma_wait3A_146 = arith.constant 0 : i32
      %dma_wait3A_147 = tpu.memref_slice %arg2[%dma_wait3A_145, %dma_wait3A_146] : memref<1000000x64xf32, #tpu.memory_space<hbm>> -> memref<200x64xf32, #tpu.memory_space<hbm>>
      tpu.wait_dma2 semaphore(%arg13 : memref<!tpu.dma_semaphore, #tpu.memory_space<semaphore_mem>>) src(%dma_wait3A_147 : memref<200x64xf32, #tpu.memory_space<hbm>>) dst(%arg10 : memref<200x64xf32, #tpu.memory_space<vmem>>)
      %mul3A_148 = arith.constant 4 : i32
      %mul3A_149 = arith.muli %add3A_134, %mul3A_148 : i32
      %add3A_150 = arith.constant 0 : i32
      %add3A_151 = arith.addi %mul3A_149, %add3A_150 : i32
      %dma_start3A_152 = arith.constant 0 : i32
      %dma_start3A_153 = arith.constant 0 : i32
      %dma_start3A_154 = tpu.memref_slice %arg10[%dma_start3A_152, %dma_start3A_153] : memref<200x64xf32, #tpu.memory_space<vmem>> -> memref<50x64xf32, #tpu.memory_space<vmem>>
      %dma_start3A_155 = arith.constant 0 : i32
      %dma_start3A_156 = tpu.memref_slice %arg8[%add3A_151, %dma_start3A_155] : memref<512x50xi32, #tpu.memory_space<vmem>> -> memref<1x50xi32, #tpu.memory_space<vmem>>
      %dma_start3A_157 = tpu.memref_squeeze %dma_start3A_156 : memref<1x50xi32, #tpu.memory_space<vmem>> -> memref<50xi32, #tpu.memory_space<vmem>>
      %dma_start3A_158 = arith.constant 0 : i32
      %dma_start3A_159 = arith.constant 0 : i32
      %dma_start3A_160 = tpu.memref_slice %arg11[%dma_start3A_158, %dma_start3A_159] : memref<8192x64xf32, #tpu.memory_space<vmem_shared>> -> memref<8192x64xf32, #tpu.memory_space<vmem_shared>>
      tpu.enqueue_indirect_dma source(%dma_start3A_154 : memref<50x64xf32, #tpu.memory_space<vmem>>) target(%dma_start3A_160 : memref<8192x64xf32, #tpu.memory_space<vmem_shared>>) offsets(%dma_start3A_157 : memref<50xi32, #tpu.memory_space<vmem>>) semaphore(%arg15 : memref<!tpu.dma_semaphore, #tpu.memory_space<semaphore_mem>>) {add = true}
      %mul3A_161 = arith.constant 4 : i32
      %mul3A_162 = arith.muli %add3A_134, %mul3A_161 : i32
      %add3A_163 = arith.constant 1 : i32
      %add3A_164 = arith.addi %mul3A_162, %add3A_163 : i32
      %dma_start3A_165 = arith.constant 50 : i32
      %dma_start3A_166 = arith.constant 0 : i32
      %dma_start3A_167 = tpu.memref_slice %arg10[%dma_start3A_165, %dma_start3A_166] : memref<200x64xf32, #tpu.memory_space<vmem>> -> memref<50x64xf32, #tpu.memory_space<vmem>>
      %dma_start3A_168 = arith.constant 0 : i32
      %dma_start3A_169 = tpu.memref_slice %arg8[%add3A_164, %dma_start3A_168] : memref<512x50xi32, #tpu.memory_space<vmem>> -> memref<1x50xi32, #tpu.memory_space<vmem>>
      %dma_start3A_170 = tpu.memref_squeeze %dma_start3A_169 : memref<1x50xi32, #tpu.memory_space<vmem>> -> memref<50xi32, #tpu.memory_space<vmem>>
      %dma_start3A_171 = arith.constant 0 : i32
      %dma_start3A_172 = arith.constant 0 : i32
      %dma_start3A_173 = tpu.memref_slice %arg11[%dma_start3A_171, %dma_start3A_172] : memref<8192x64xf32, #tpu.memory_space<vmem_shared>> -> memref<8192x64xf32, #tpu.memory_space<vmem_shared>>
      tpu.enqueue_indirect_dma source(%dma_start3A_167 : memref<50x64xf32, #tpu.memory_space<vmem>>) target(%dma_start3A_173 : memref<8192x64xf32, #tpu.memory_space<vmem_shared>>) offsets(%dma_start3A_170 : memref<50xi32, #tpu.memory_space<vmem>>) semaphore(%arg15 : memref<!tpu.dma_semaphore, #tpu.memory_space<semaphore_mem>>) {add = true}
      %mul3A_174 = arith.constant 4 : i32
      %mul3A_175 = arith.muli %add3A_134, %mul3A_174 : i32
      %add3A_176 = arith.constant 2 : i32
      %add3A_177 = arith.addi %mul3A_175, %add3A_176 : i32
      %dma_start3A_178 = arith.constant 100 : i32
      %dma_start3A_179 = arith.constant 0 : i32
      %dma_start3A_180 = tpu.memref_slice %arg10[%dma_start3A_178, %dma_start3A_179] : memref<200x64xf32, #tpu.memory_space<vmem>> -> memref<50x64xf32, #tpu.memory_space<vmem>>
      %dma_start3A_181 = arith.constant 0 : i32
      %dma_start3A_182 = tpu.memref_slice %arg8[%add3A_177, %dma_start3A_181] : memref<512x50xi32, #tpu.memory_space<vmem>> -> memref<1x50xi32, #tpu.memory_space<vmem>>
      %dma_start3A_183 = tpu.memref_squeeze %dma_start3A_182 : memref<1x50xi32, #tpu.memory_space<vmem>> -> memref<50xi32, #tpu.memory_space<vmem>>
      %dma_start3A_184 = arith.constant 0 : i32
      %dma_start3A_185 = arith.constant 0 : i32
      %dma_start3A_186 = tpu.memref_slice %arg11[%dma_start3A_184, %dma_start3A_185] : memref<8192x64xf32, #tpu.memory_space<vmem_shared>> -> memref<8192x64xf32, #tpu.memory_space<vmem_shared>>
      tpu.enqueue_indirect_dma source(%dma_start3A_180 : memref<50x64xf32, #tpu.memory_space<vmem>>) target(%dma_start3A_186 : memref<8192x64xf32, #tpu.memory_space<vmem_shared>>) offsets(%dma_start3A_183 : memref<50xi32, #tpu.memory_space<vmem>>) semaphore(%arg15 : memref<!tpu.dma_semaphore, #tpu.memory_space<semaphore_mem>>) {add = true}
      %mul3A_187 = arith.constant 4 : i32
      %mul3A_188 = arith.muli %add3A_134, %mul3A_187 : i32
      %add3A_189 = arith.constant 3 : i32
      %add3A_190 = arith.addi %mul3A_188, %add3A_189 : i32
      %dma_start3A_191 = arith.constant 150 : i32
      %dma_start3A_192 = arith.constant 0 : i32
      %dma_start3A_193 = tpu.memref_slice %arg10[%dma_start3A_191, %dma_start3A_192] : memref<200x64xf32, #tpu.memory_space<vmem>> -> memref<50x64xf32, #tpu.memory_space<vmem>>
      %dma_start3A_194 = arith.constant 0 : i32
      %dma_start3A_195 = tpu.memref_slice %arg8[%add3A_190, %dma_start3A_194] : memref<512x50xi32, #tpu.memory_space<vmem>> -> memref<1x50xi32, #tpu.memory_space<vmem>>
      %dma_start3A_196 = tpu.memref_squeeze %dma_start3A_195 : memref<1x50xi32, #tpu.memory_space<vmem>> -> memref<50xi32, #tpu.memory_space<vmem>>
      %dma_start3A_197 = arith.constant 0 : i32
      %dma_start3A_198 = arith.constant 0 : i32
      %dma_start3A_199 = tpu.memref_slice %arg11[%dma_start3A_197, %dma_start3A_198] : memref<8192x64xf32, #tpu.memory_space<vmem_shared>> -> memref<8192x64xf32, #tpu.memory_space<vmem_shared>>
      tpu.enqueue_indirect_dma source(%dma_start3A_193 : memref<50x64xf32, #tpu.memory_space<vmem>>) target(%dma_start3A_199 : memref<8192x64xf32, #tpu.memory_space<vmem_shared>>) offsets(%dma_start3A_196 : memref<50xi32, #tpu.memory_space<vmem>>) semaphore(%arg15 : memref<!tpu.dma_semaphore, #tpu.memory_space<semaphore_mem>>) {add = true}
    }
    %scan3A_50 = arith.constant 64 : i32
    %dma_wait3A = arith.constant 0 : i32
    %dma_wait3A_51 = arith.constant 0 : i32
    %dma_wait3A_52 = tpu.memref_slice %arg2[%dma_wait3A, %dma_wait3A_51] : memref<1000000x64xf32, #tpu.memory_space<hbm>> -> memref<200x64xf32, #tpu.memory_space<hbm>>
    %dma_wait3A_53 = arith.constant 0 : i32
    %dma_wait3A_54 = arith.constant 0 : i32
    %dma_wait3A_55 = tpu.memref_slice %arg2[%dma_wait3A_53, %dma_wait3A_54] : memref<1000000x64xf32, #tpu.memory_space<hbm>> -> memref<200x64xf32, #tpu.memory_space<hbm>>
    tpu.wait_dma2 semaphore(%arg14 : memref<!tpu.dma_semaphore, #tpu.memory_space<semaphore_mem>>) src(%dma_wait3A_55 : memref<200x64xf32, #tpu.memory_space<hbm>>) dst(%arg9 : memref<200x64xf32, #tpu.memory_space<vmem>>)
    %dma_wait3A_56 = arith.constant 0 : i32
    %dma_wait3A_57 = arith.constant 0 : i32
    %dma_wait3A_58 = tpu.memref_slice %arg2[%dma_wait3A_56, %dma_wait3A_57] : memref<1000000x64xf32, #tpu.memory_space<hbm>> -> memref<200x64xf32, #tpu.memory_space<hbm>>
    %dma_wait3A_59 = arith.constant 0 : i32
    %dma_wait3A_60 = arith.constant 0 : i32
    %dma_wait3A_61 = tpu.memref_slice %arg2[%dma_wait3A_59, %dma_wait3A_60] : memref<1000000x64xf32, #tpu.memory_space<hbm>> -> memref<200x64xf32, #tpu.memory_space<hbm>>
    tpu.wait_dma2 semaphore(%arg15 : memref<!tpu.dma_semaphore, #tpu.memory_space<semaphore_mem>>) src(%dma_wait3A_61 : memref<200x64xf32, #tpu.memory_space<hbm>>) dst(%arg10 : memref<200x64xf32, #tpu.memory_space<vmem>>)
    %mul3A_62 = arith.constant 512 : i32
    %mul3A_63 = arith.muli %add3A, %mul3A_62 : i32
    "tpu.region"() ({
      %run_scoped3A = tpu.sem_alloc : memref<!tpu.dma_semaphore, #tpu.memory_space<semaphore_mem>>
      %dma_start3A_64 = arith.constant 0 : i32
      %dma_start3A_65 = tpu.memref_slice %arg6[%mul3A_63, %dma_start3A_64] : memref<16384x64xf32, #tpu.memory_space<hbm>> -> memref<512x64xf32, #tpu.memory_space<hbm>>
      %dma_start3A_66 = arith.constant 0 : i32
      %dma_start3A_67 = tpu.memref_slice %arg11[%mul3A_2, %dma_start3A_66] : memref<8192x64xf32, #tpu.memory_space<vmem_shared>> -> memref<512x64xf32, #tpu.memory_space<vmem_shared>>
      tpu.enqueue_dma source(%dma_start3A_67 : memref<512x64xf32, #tpu.memory_space<vmem_shared>>) target(%dma_start3A_65 : memref<512x64xf32, #tpu.memory_space<hbm>>) target_semaphore(%run_scoped3A : memref<!tpu.dma_semaphore, #tpu.memory_space<semaphore_mem>>)
      %dma_wait3A_68 = arith.constant 0 : i32
      %dma_wait3A_69 = tpu.memref_slice %arg6[%mul3A_63, %dma_wait3A_68] : memref<16384x64xf32, #tpu.memory_space<hbm>> -> memref<512x64xf32, #tpu.memory_space<hbm>>
      %dma_wait3A_70 = arith.constant 0 : i32
      %dma_wait3A_71 = tpu.memref_slice %arg11[%mul3A_2, %dma_wait3A_70] : memref<8192x64xf32, #tpu.memory_space<vmem_shared>> -> memref<512x64xf32, #tpu.memory_space<vmem_shared>>
      tpu.wait_dma2 semaphore(%run_scoped3A : memref<!tpu.dma_semaphore, #tpu.memory_space<semaphore_mem>>) src(%dma_wait3A_71 : memref<512x64xf32, #tpu.memory_space<vmem_shared>>) dst(%dma_wait3A_69 : memref<512x64xf32, #tpu.memory_space<hbm>>)
      tpu.yield
    }) : () -> ()
    return
  }
}

module attributes {stable_mosaic.version = 14 : i64} {
  func.func @body(%arg0: i32, %arg1: memref<1024x64xf32, #tpu.memory_space<vmem>>, %arg2: memref<64x1000xf32, #tpu.memory_space<vmem>>, %arg3: memref<1000x1xf32, #tpu.memory_space<vmem>>, %arg4: memref<1000x1024xf32, #tpu.memory_space<vmem>>) attributes {dimension_semantics = [#tpu.dimension_semantics<arbitrary>], iteration_bounds = array<i64: 16>, scalar_prefetch = 0 : i64, scratch_operands = 0 : i64, tpu.core_type = #tpu.core_type<tc>, window_params = [{transform_indices = @transform_0, window_bounds = array<i64: 1024, 64>}, {pipeline_mode = #tpu.pipeline_mode<synchronous>, transform_indices = @transform_1, window_bounds = array<i64: 64, 1000>}, {pipeline_mode = #tpu.pipeline_mode<synchronous>, transform_indices = @transform_2, window_bounds = array<i64: 1000, 1>}, {transform_indices = @transform_3, window_bounds = array<i64: 1000, 1024>}]} {
    %get3A = arith.constant 0 : index
    %get3A_0 = arith.constant 0 : index
    %get3A_1 = vector.load %arg2[%get3A, %get3A_0] : memref<64x1000xf32, #tpu.memory_space<vmem>>, vector<64x1000xf32>
    %get3A_2 = arith.constant 0 : index
    %get3A_3 = arith.constant 0 : index
    %get3A_4 = vector.load %arg1[%get3A_2, %get3A_3] : memref<1024x64xf32, #tpu.memory_space<vmem>>, vector<1024x64xf32>
    %dot_general3A = arith.constant dense<0.000000e+00> : vector<1000x1024xf32>
    %dot_general3A_5 = tpu.matmul %get3A_1, %get3A_4, %dot_general3A {dimension_numbers = #tpu.dot_dimension_numbers<[0], [1], [1], [0], [0, 1, 1, 0], [], []>, transpose_lhs_hint = false} : vector<64x1000xf32>, vector<1024x64xf32>, vector<1000x1024xf32> -> vector<1000x1024xf32>
    %mul3A = arith.constant 2.000000e-02 : f32
    %mul3A_6 = vector.broadcast %mul3A : f32 to vector<1000x1024xf32>
    %mul3A_7 = arith.mulf %dot_general3A_5, %mul3A_6 : vector<1000x1024xf32>
    %get3A_8 = arith.constant 0 : index
    %get3A_9 = arith.constant 0 : index
    %get3A_10 = vector.load %arg3[%get3A_8, %get3A_9] : memref<1000x1xf32, #tpu.memory_space<vmem>>, vector<1000x1xf32>
    %add3A = vector.broadcast %get3A_10 : vector<1000x1xf32> to vector<1000x1024xf32>
    %add3A_11 = arith.addf %mul3A_7, %add3A : vector<1000x1024xf32>
    %swap3A = arith.constant 0 : index
    %swap3A_12 = arith.constant 0 : index
    %swap3A_13 = vector.load %arg4[%swap3A, %swap3A_12] : memref<1000x1024xf32, #tpu.memory_space<vmem>>, vector<1000x1024xf32>
    tpu.vector_store %arg4[%swap3A, %swap3A_12], %add3A_11 {strides = array<i32>} : memref<1000x1024xf32, #tpu.memory_space<vmem>>, vector<1000x1024xf32>,
    return
  }
  func.func @transform_0(%arg0: i32) -> (i32, i32) {
    %c0_i32 = arith.constant 0 : i32
    %c0_i32_0 = arith.constant 0 : i32
    return %arg0, %c0_i32 : i32, i32
  }
  func.func @transform_1(%arg0: i32) -> (i32, i32) {
    %c0_i32 = arith.constant 0 : i32
    %c0_i32_0 = arith.constant 0 : i32
    %c0_i32_1 = arith.constant 0 : i32
    return %c0_i32, %c0_i32_0 : i32, i32
  }
  func.func @transform_2(%arg0: i32) -> (i32, i32) {
    %c0_i32 = arith.constant 0 : i32
    %c0_i32_0 = arith.constant 0 : i32
    %c0_i32_1 = arith.constant 0 : i32
    return %c0_i32, %c0_i32_0 : i32, i32
  }
  func.func @transform_3(%arg0: i32) -> (i32, i32) {
    %c0_i32 = arith.constant 0 : i32
    %c0_i32_0 = arith.constant 0 : i32
    return %c0_i32, %arg0 : i32, i32
  }
}

</mosaic_0001>

<sc_bundles>
// kernel: kernel.4.cloned.1.call-start
scs
__scs_entry_jumppad:
0x0: {  	(pc) =	sbr.rel $0x88, $3  }
0x1: {  	(tag) =	ssettag $0x0;
	lr =	simm.s32 $0x1  }
0x2: {  	[smem:$0x3F9D] =	sst lr;
	_ =	strace $0xD0000000  }
0x3: {  	_ = 	snop  }
0x4: {  	_ = 	snop  }
0x5: {  	_ = 	snop  }
0x6: {  	_ = 	snop  }
0x7: {  	_ = 	snop  }
__scs_overlays_trampoline_lowered:
0x8: {  	[smem:$0x3FAC] =	sst s0  }
0x9: {  	[smem:$0x3FAD] =	sst s1  }
0xa: {  	[smem:$0x3FAE] =	sst s2  }
0xb: {  	[smem:$0x3FAF] =	sst s3  }
0xc: {  	[smem:$0x3FB0] =	sst s4  }
0xd: {  	[smem:$0x3FB1] =	sst s5  }
0xe: {  	[smem:$0x3FB2] =	sst s6  }
0xf: {  	[smem:$0x3FB3] =	sst s7  }
0x10: {  	[smem:$0x3FB4] =	sst s8  }
0x11: {  	[smem:$0x3FB5] =	sst s9;
	s0 =	simm.s32 @!p0 $0x0  }
0x12: {  	s1 =	sld [smem:$0x3F9B];
	s0 =	simm.s32 @p0 $0x1  }
0x13: {  	[smem:$0x3FB6] =	sst s0;
	s0 =	simm.s32 @!p1 $0x0  }
0x14: {  	s2 =	sld [smem:$0x3F9A];
	s0 =	simm.s32 @p1 $0x1  }
0x15: {  	[smem:$0x3FB7] =	sst s0;
	s0 =	simm.s32 @!p2 $0x0  }
0x16: {  	s3 =	sld [smem:$0x3FDB];
	s0 =	simm.s32 @p2 $0x1  }
0x17: {  	s4 =	simm.s32 $0x1BF5;
	[smem:$0x3FB9] =	sst s0  }
0x18: {  	s0 =	sld [smem:$0x3F9C];
	_ =	swait.ge [sflag:s4], $0x0  }
0x19: {  	s7 =	sld [smem:$0x3F9D]  }
0x1a: {  	s8 =	sadd.s32 $0xFFFFE003, lr  }
0x1b: {  	s9 =	sadd.s32 $0xFFFFFEF7, lr;
	s5 =	simm.s32 $0xFFFFFFFF;
	p2 =	slt.u32 s8, $0xFFFFF086  }
0x1c: {  	p1 =	slt.u32 s9, $0xF7A;
	s5 =	simm.s32 @!p2 $0x0  }
0x1d: {  	s5 =	simm.s32 @p1 $0x1;
	p0 =	seq.s32 s7, s2  }
0x1e: {  	s7 =	smul.u32 @!p0 $0xF7A, s2;
	p2 =	seq.s32 @!p0 s5, $0x0  }
0x1f: {  	s9 =	smul.u32 $0xF7A, s1;
	s8 =	simm.s32 @!p0 $0x1BF5;
	p2 =	por !p2, p0  }
0x20: {  	[sflag:s8] =	ssyncset.s32 @!p0 $0xFFFFF086;
	s6 =	sadd.s32 @!p0 s3, s7;
	s7 =	simm.s32 @!p0 $0x108  }
0x21: {  	s3 =	sadd.s32 s3, s9;
	s6 =	sadd.s32 @!p0 $0x88, s6;
	s7 =	simm.s32 @p2 $0x1082  }
0x22: {  	[simem:s7], [sflag:s8] =	dma.local @!p0 [hbm:s6], $0xF7A  }
0x23: {  	s9 =	sor.u32 $0xD0000000, s2;
	s6 =	simm.s32 $0x108;
	_ =	swait.ge @!p0 [sflag:s8], $0x0  }
0x24: {  	s3 =	sadd.s32 $0x88, s3;
	s6 =	simm.s32 @!p1 $0x1082;
	[sflag:s4] =	ssyncset.s32 $0xFFFFF086  }
0x25: {  	[simem:s6], [sflag:s4] =	dma.local [hbm:s3], $0xF7A  }
0x26: {  	[smem:$0x3F9D] =	sst s1;
	(tag) =	ssettag s2;
	_ =	strace s9  }
0x27: {  	s1 =	sld [smem:$0x3FAD]  }
0x28: {  	s2 =	sld [smem:$0x3FAE]  }
0x29: {  	s4 =	sld [smem:$0x3FB0]  }
0x2a: {  	p0 =	seq.s32 s5, $0x0;
	s5 =	sld [smem:$0x3FB1]  }
0x2b: {  	s6 =	sld [smem:$0x3FB2]  }
0x2c: {  	s7 =	sld [smem:$0x3FB3]  }
0x2d: {  	s3 =	simm.s32 $0x108;
	s8 =	sld [smem:$0x3FB4]  }
0x2e: {  	s3 =	simm.s32 @!p0 $0x1082;
	s9 =	sld [smem:$0x3FB5]  }
0x2f: {  	lr =	sadd.s32 s0, s3;
	s0 =	sld [smem:$0x3FAC]  }
0x30: {  	s3 =	sld [smem:$0x3FAF]  }
0x31: {  	[smem:$0x3FB8] =	sst s10  }
0x32: {  	s10 =	sld [smem:$0x3FB6];
	_ =	sdelay $0x3  }
0x33: {  	p0 =	seq.s32 s10, $0x1;
	s10 =	sld [smem:$0x3FB8];
	_ =	sdelay $0x3  }
0x34: {  	[smem:$0x3FB8] =	sst s10  }
0x35: {  	s10 =	sld [smem:$0x3FB7];
	_ =	sdelay $0x3  }
0x36: {  	p1 =	seq.s32 s10, $0x1;
	s10 =	sld [smem:$0x3FB8];
	_ =	sdelay $0x3  }
0x37: {  	[smem:$0x3FB8] =	sst s10  }
0x38: {  	s10 =	sld [smem:$0x3FB9]  }
0x39: {  	_ = 	snop;
	(pc) =	sbr.ind lr, $3  }
0x3a: {  	_ = 	snop  }
0x3b: {  	_ = 	snop  }
0x3c: {  	p2 =	seq.s32 s10, $0x1;
	s10 =	sld [smem:$0x3FB8]  }
0x3d: {  	_ =	shalt  }
0x3e: {  	_ =	shalt  }
0x3f: {  	_ =	shalt  }
0x40: {  	_ =	shalt  }
0x41: {  	_ =	shalt  }
0x42: {  	_ =	shalt  }
0x43: {  	_ =	shalt  }
0x44: {  	_ =	shalt  }
0x45: {  	_ =	shalt  }
0x46: {  	_ =	shalt  }
0x47: {  	_ =	shalt  }
0x48: {  	_ =	shalt  }
0x49: {  	_ =	shalt  }
0x4a: {  	_ =	shalt  }
0x4b: {  	_ =	shalt  }
0x4c: {  	_ =	shalt  }
0x4d: {  	_ =	shalt  }
0x4e: {  	_ =	shalt  }
0x4f: {  	_ =	shalt  }
0x50: {  	_ =	shalt  }
0x51: {  	_ =	shalt  }
0x52: {  	_ =	shalt  }
0x53: {  	_ =	shalt  }
0x54: {  	_ =	shalt  }
0x55: {  	_ =	shalt  }
0x56: {  	_ =	shalt  }
0x57: {  	_ =	shalt  }
0x58: {  	_ =	shalt  }
0x59: {  	_ =	shalt  }
0x5a: {  	_ =	shalt  }
0x5b: {  	_ =	shalt  }
0x5c: {  	_ =	shalt  }
0x5d: {  	_ =	shalt  }
0x5e: {  	_ =	shalt  }
0x5f: {  	_ =	shalt  }
0x60: {  	_ =	shalt  }
0x61: {  	_ =	shalt  }
0x62: {  	_ =	shalt  }
0x63: {  	_ =	shalt  }
0x64: {  	_ =	shalt  }
0x65: {  	_ =	shalt  }
0x66: {  	_ =	shalt  }
0x67: {  	_ =	shalt  }
0x68: {  	_ =	shalt  }
0x69: {  	_ =	shalt  }
0x6a: {  	_ =	shalt  }
0x6b: {  	_ =	shalt  }
0x6c: {  	_ =	shalt  }
0x6d: {  	_ =	shalt  }
0x6e: {  	_ =	shalt  }
0x6f: {  	_ =	shalt  }
0x70: {  	_ =	shalt  }
0x71: {  	_ =	shalt  }
0x72: {  	_ =	shalt  }
0x73: {  	_ =	shalt  }
0x74: {  	_ =	shalt  }
0x75: {  	_ =	shalt  }
0x76: {  	_ =	shalt  }
0x77: {  	_ =	shalt  }
0x78: {  	_ =	shalt  }
0x79: {  	_ =	shalt  }
0x7a: {  	_ =	shalt  }
0x7b: {  	_ =	shalt  }
0x7c: {  	_ =	shalt  }
0x7d: {  	_ =	shalt  }
0x7e: {  	_ =	shalt  }
0x7f: {  	_ =	shalt  }
0x80: {  	_ =	shalt  }
0x81: {  	_ =	shalt  }
0x82: {  	_ =	shalt  }
0x83: {  	_ =	shalt  }
0x84: {  	_ =	shalt  }
0x85: {  	_ =	shalt  }
0x86: {  	_ =	shalt  }
0x87: {  	_ =	shalt  }
.Lfunc_end0:
.L_simem_size_0:
called_computation_lowered:
.L_overlay_start_0:
0x88: {  	s2 =	sld [smem:$0x3FD9]  }
0x89: {  	s3 =	sld [smem:$0x3FFE];
	_ =	sdelay $0x1  }
0x8a: {  	s1 =	srdreg.scid  }
0x8b: {  	s0 =	sand.u32 $0x1, s1  }
0x8c: {  	s17 =	sshll.u32 s0, $0xA;
	s2 =	sadd.s32 s3, s2  }
0x8d: {  	s2 =	sadd.s32 s2, s17  }
0x8e: {  	[smem:$0x3FC4] =	sst s2  }
0x8f: {  	_ = 	snop  }
0x90: {  	s2 =	sld [smem:$0x3FD0];
	(tm) =	ssettm $0x1  }
0x91: {  	s18 =	sld [smem:$0x3FFB];
	_ =	sdelay $0x3  }
0x92: {  	_ =	strace s18  }
0x93: {  	s3 =	sld [smem:$0x3FFC];
	_ =	sdelay $0x3  }
0x94: {  	_ =	strace s3  }
0x95: {  	s3 =	sld [smem:$0x3FFD];
	_ =	sdelay $0x3  }
0x96: {  	_ =	strace s3  }
0x97: {  	_ =	strace $0x8FFFFFFF  }
0x98: {  	s19 =	sld [smem:$0x3FDB];
	_ =	sdelay $0x1  }
0x99: {  	s4 =	simm.s32 $_scs_section_size  }
0x9a: {  	s5 =	simm.s32 $_size__tile_overlayer_lowered;
	s6 =	simm.s32 $_tile_overlayer_lowered  }
0x9b: {  	s22 =	simm.s32 $0x1BFF;
	s21 =	sshll.u32 s6, $0x1;
	s3 =	sadd.s32 s4, s19  }
0x9c: {  	s7 =	simm.s32 $0x0;
	s20 =	sshll.u32 s5, $0x1;
	s5 =	sadd.s32 s21, s3  }
0x9d: {  	[timem:s7], [sflag:s22] =	dma.local [hbm:s5], s20  }
0x9e: {  	_ =	swait.ge [sflag:s22], s20  }
0x9f: {  	s4 =	ssub.s32 $0x0, s20;
	[sflag:s22] =	ssyncset.done $0x0  }
0xa0: {  	[sflag:s22] =	ssyncadd.s32 s4;
	_ =	sdelay $0x1  }
0xa1: {  	s23 =	simm.s32 $0x1B8B  }
0xa2: {  	_ =	swait.ge [sflag:s23], $0x1  }
0xa3: {  	[sflag:s23] =	ssyncset.done $0x0  }
0xa4: {  	s25 =	simm.s32 $0x1B8E;
	s24 =	sld [smem:$0x3FFE];
	[sflag:s23] =	ssyncadd.s32 $0xFFFFFFFF  }
0xa5: {  	s26 =	simm.s32 $execute0_lowered;
	[smem:$0x3FD2] =	sst s25  }
0xa6: {  	s5 =	sshll.u32 s26, $0x1;
	_ =	strace $0x80000046;
	[dreg:$0x1] =	wrdreg $0xFFFFFFFF  }
0xa7: {  	s28 =	simm.s32 $_size_execute0_lowered;
	s3 =	sadd.s32 s3, s5;
	[dreg:$0x0] =	wrdreg $0x0  }
0xa8: {  	s5 =	sshll.u32 s28, $0x1;
	[dreg:$0x2] =	wrdreg s3  }
0xa9: {  	[dreg:$0x3] =	wrdreg s5  }
0xaa: {  	[dreg:$0x4] =	wrdreg $0xC0  }
0xab: {  	_ =	task [dreg:s7], $0x5FFFF  }
0xac: {  	[dreg:$0x1] =	wrdreg $0xFFFFFFFF  }
0xad: {  	[dreg:$0x0] =	wrdreg $0x60  }
0xae: {  	[dreg:$0x2] =	wrdreg s24  }
0xaf: {  	[dreg:$0x3] =	wrdreg s2  }
0xb0: {  	[dreg:$0x4] =	wrdreg $0x144000  }
0xb1: {  	[dreg:$0x5] =	wrdreg $0x9  }
0xb2: {  	_ =	task.clear_ibuf [dreg:s7], $0x6FFFF;
	_ =	strace $0x90000046  }
0xb3: {  	s29 =	simm.s32 $0x9;
	_ =	strace $0x80000048  }
0xb4: {  	_ =	swait.ge [sflag:s29], $0x1  }
0xb5: {  	[sflag:s29] =	ssyncadd.s32 $0xFFFFFFFF  }
0xb6: {  	_ =	strace $0x90000048  }
0xb7: {  	_ =	sfence  }
0xb8: {  	s30 =	sld [smem:$0x0];
	_ =	sdelay $0x2  }
0xb9: {  	s31 =	sshll.u32 s1, $0xD;
	s1 =	sshrl.u32 s1, $0x2  }
0xba: {  	s3 =	sand.u32 $0x4000, s31;
	s1 =	sadd.s32 s1, s30  }
0xbb: {  	s0 =	sor.u32 s3, s0;
	s1 =	sshll.u32 s1, $0x11  }
0xbc: {  	s0 =	sor.u32 s1, s0  }
0xbd: {  	s0 =	sadd.s32 $0x8F2B, s0  }
0xbe: {  	[sflag:s0] =	ssyncadd.remote.s32 $0x1  }
0xbf: {  	_ =	sfence.sel $0xFFFF  }
0xc0: {  	[dreg:$0x0] =	wrdreg $0xFFFFFFFF;
	(pc) =	sbr.abs _section_cstart, $3  }
0xc1: {  	[dreg:$0x1] =	wrdreg $0xFFFFFFFF  }
0xc2: {  	_ =	task.clear_ibuf [dreg:s7], $0x2FFFF;
	_ =	strace $0x9FFFFFFF  }
0xc3: {  	(tm) =	ssettm $0x7FFFFFFF  }
tec
execute0_lowered:
.L_overlay_start_1:
0x0: {  	(tag) =	ssettag $0x1  }
0x1: {  	s0 =	rddreg [dreg:$0x0];
	s1 =	srdreg.scid  }
0x2: {  	s8 =	rddreg [dreg:$0x1];
	s11 =	stileid.u32  }
0x3: {  	s2 =	rddreg [dreg:$0x2];
	s3 =	simm.s32 $0x0;
	s14 =	simm.s32 $0x32  }
0x4: {  	s15 =	simm.s32 $0xE000;
	s17 =	simm.s32 $0xEC80;
	s19 =	simm.s32 $0xF900  }
0x5: {  	s21 =	simm.s32 $0x10580;
	s23 =	simm.s32 $0x11200;
	s28 =	simm.s32 $0x12B00  }
0x6: {  	s30 =	simm.s32 $0x13780;
	s31 =	simm.s32 $0x1;
	s18 =	simm.s32 $0x3  }
0x7: {  	s29 =	simm.s32 $0x2;
	s16 =	simm.s32 $0x7150;
	s20 =	simm.s32 $0x7188  }
0x8: {  	s22 =	simm.s32 $0x4;
	s1 =	sand.u32 $0x1, s1;
	s5 =	sshll.u32 s11, $0x9  }
0x9: {  	[smem:$0x7FF] =	sst s3;
	s6 =	smul.u32 $0xE00, s11;
	s25 =	sshll.u32 s11, $0xF  }
0xa: {  	s26 =	sshll.u32 s11, $0x6;
	s11 =	simm.s32 $0x7000;
	s4 =	sshll.u32 s1, $0xD  }
0xb: {  	_ =	strace $0x80000047;
	s1 =	ssub.s32 $0x2, s1;
	s9 =	sor.u32 s5, s4  }
0xc: {  	s12 =	sor.u32 $0x1C05, s26;
	s4 =	sadd.s32 $0xF43000, s0;
	s5 =	smul.u32 $0x7, s9  }
0xd: {  	s10 =	sadd.s32 s6, s0;
	s24 =	sshrl.u32 s1, $0x1;
	s9 =	sshll.u32 s9, $0x3  }
0xe: {  	s8 =	sadd.s32 s8, s9;
	s7 =	sadd.s32 s5, s0;
	s5 =	sadd.s32 $0x2AC00, s0  }
0xf: {  	s0 =	ssub.s32 s1, s24;
	s1 =	sadd.s32 s25, s2;
	s25 =	simm.s32 $0x11E80  }
0x10: {  	s24 =	simm.s32 $0x0;
	s6 =	sadd.s32 $0xC00, s7;
	s7 =	sadd.s32 $0x1CC00, s10  }
0x11: {  	s9 =	smax.u32 s0, $0x1;
	s10 =	simm.s32 $0x5;
	s13 =	sshrl.u32 s1, $0x3  }
.LBB2_1:
0x12: {  	[tilespmem:s3], [sflag:$0x5] =	stream.linear.gather [hbm4b:s6+s3], $0x7000, $0x38;
	[tilespmem:$0x1C400] =	vst v63  }
0x13: {  	_ =	swait.ge [sflag:s10], $0x7000  }
0x14: {  	[sflag:s10] =	ssyncset.done $0x0  }
0x15: {  	[sflag:s10] =	ssyncadd.s32 $0xFFFF9000  }
0x16: {  	[tilespmem:s11], [sflag:$0x5] =	stream.linear.gather [hbm4b:s7+s3], $0x7000, $0x38;
	[tilespmem:$0x1C400] =	vst v63  }
0x17: {  	_ =	swait.ge [sflag:s10], $0x7000  }
0x18: {  	[sflag:s10] =	ssyncset.done $0x0  }
0x19: {  	[sflag:s10] =	ssyncadd.s32 $0xFFFF9000  }
0x1a: {  	[spmem:s13], [sflag:s12] =	dma.local [hbm:s5], $0x1000  }
0x1b: {  	_ =	swait.ge [sflag:s10], $0x1000  }
0x1c: {  	[sflag:s10] =	ssyncset.done $0x0  }
0x1d: {  	[sflag:s10] =	ssyncadd.s32 $0xFFFFF000  }
0x1e: {  	[tilespmem:s15], [sflag:$0x1] =	stream.indirect.gather [hbm4b:s4+s14], $0x40, s3, s14, $0xb8;
	[tilespmem:$0x1C400] =	vst v63  }
0x1f: {  	s0 =	simm.s32 $0x38  }
0x20: {  	[tilespmem:s17], [sflag:$0x1] =	stream.indirect.gather [hbm4b:s4+s14], $0x40, s0, s14, $0xb8;
	[tilespmem:$0x1C400] =	vst v63  }
0x21: {  	s26 =	simm.s32 $0x70  }
0x22: {  	[tilespmem:s19], [sflag:$0x1] =	stream.indirect.gather [hbm4b:s4+s14], $0x40, s26, s14, $0xb8;
	[tilespmem:$0x1C400] =	vst v63  }
0x23: {  	s1 =	simm.s32 $0xA8  }
0x24: {  	[tilespmem:s21], [sflag:$0x1] =	stream.indirect.gather [hbm4b:s4+s14], $0x40, s1, s14, $0xb8;
	[tilespmem:$0x1C400] =	vst v63  }
0x25: {  	s26 =	simm.s32 $0xE0  }
0x26: {  	[tilespmem:s23], [sflag:$0x2] =	stream.indirect.gather [hbm4b:s4+s14], $0x40, s26, s14, $0xb8;
	[tilespmem:$0x1C400] =	vst v63  }
0x27: {  	s1 =	simm.s32 $0x118  }
0x28: {  	[tilespmem:s25], [sflag:$0x2] =	stream.indirect.gather [hbm4b:s4+s14], $0x40, s1, s14, $0xb8;
	[tilespmem:$0x1C400] =	vst v63  }
0x29: {  	s26 =	simm.s32 $0x150  }
0x2a: {  	[tilespmem:s28], [sflag:$0x2] =	stream.indirect.gather [hbm4b:s4+s14], $0x40, s26, s14, $0xb8;
	[tilespmem:$0x1C400] =	vst v63  }
0x2b: {  	s1 =	simm.s32 $0x188  }
0x2c: {  	[tilespmem:s30], [sflag:$0x2] =	stream.indirect.gather [hbm4b:s4+s14], $0x40, s1, s14, $0xb8;
	[tilespmem:$0x1C400] =	vst v63  }
0x2d: {  	_ =	swait.ge [sflag:s31], $0x3200  }
0x2e: {  	[sflag:s31] =	ssyncset.done $0x0  }
0x2f: {  	[sflag:s31] =	ssyncadd.s32 $0xFFFFCE00  }
0x30: {  	[spmem:s2] =	stream.indirect.scatter.add.f32 [tilespmem:s15], [sflag:$0x3], $0x40, s11, s14, $0xb8;
	[tilespmem:$0x1C400] =	vst v63  }
0x31: {  	s26 =	simm.s32 $0x7038  }
0x32: {  	[spmem:s2] =	stream.indirect.scatter.add.f32 [tilespmem:s17], [sflag:$0x3], $0x40, s26, s14, $0xb8;
	[tilespmem:$0x1C400] =	vst v63  }
0x33: {  	s1 =	simm.s32 $0x7070  }
0x34: {  	[spmem:s2] =	stream.indirect.scatter.add.f32 [tilespmem:s19], [sflag:$0x3], $0x40, s1, s14, $0xb8;
	[tilespmem:$0x1C400] =	vst v63  }
0x35: {  	s26 =	simm.s32 $0x70A8  }
0x36: {  	[spmem:s2] =	stream.indirect.scatter.add.f32 [tilespmem:s21], [sflag:$0x3], $0x40, s26, s14, $0xb8;
	[tilespmem:$0x1C400] =	vst v63  }
0x37: {  	_ =	swait.ge [sflag:s18], $0x3200  }
0x38: {  	[sflag:s18] =	ssyncset.done $0x0  }
0x39: {  	s1 =	simm.s32 $0x1C0;
	[sflag:s18] =	ssyncadd.s32 $0xFFFFCE00  }
0x3a: {  	[tilespmem:s15], [sflag:$0x1] =	stream.indirect.gather [hbm4b:s4+s14], $0x40, s1, s14, $0xb8;
	[tilespmem:$0x1C400] =	vst v63  }
0x3b: {  	s26 =	simm.s32 $0x1F8  }
0x3c: {  	[tilespmem:s17], [sflag:$0x1] =	stream.indirect.gather [hbm4b:s4+s14], $0x40, s26, s14, $0xb8;
	[tilespmem:$0x1C400] =	vst v63  }
0x3d: {  	s1 =	simm.s32 $0x230  }
0x3e: {  	[tilespmem:s19], [sflag:$0x1] =	stream.indirect.gather [hbm4b:s4+s14], $0x40, s1, s14, $0xb8;
	[tilespmem:$0x1C400] =	vst v63  }
0x3f: {  	s26 =	simm.s32 $0x268  }
0x40: {  	[tilespmem:s21], [sflag:$0x1] =	stream.indirect.gather [hbm4b:s4+s14], $0x40, s26, s14, $0xb8;
	[tilespmem:$0x1C400] =	vst v63  }
0x41: {  	_ =	swait.ge [sflag:s29], $0x3200  }
0x42: {  	[sflag:s29] =	ssyncset.done $0x0  }
0x43: {  	s1 =	simm.s32 $0x70E0;
	[sflag:s29] =	ssyncadd.s32 $0xFFFFCE00  }
0x44: {  	[spmem:s2] =	stream.indirect.scatter.add.f32 [tilespmem:s23], [sflag:$0x4], $0x40, s1, s14, $0xb8;
	[tilespmem:$0x1C400] =	vst v63  }
0x45: {  	s26 =	simm.s32 $0x7118  }
0x46: {  	[spmem:s2] =	stream.indirect.scatter.add.f32 [tilespmem:s25], [sflag:$0x4], $0x40, s26, s14, $0xb8;
	[tilespmem:$0x1C400] =	vst v63  }
0x47: {  	_ = 	snop  }
0x48: {  	[spmem:s2] =	stream.indirect.scatter.add.f32 [tilespmem:s28], [sflag:$0x4], $0x40, s16, s14, $0xb8;
	[tilespmem:$0x1C400] =	vst v63  }
0x49: {  	_ = 	snop  }
0x4a: {  	[spmem:s2] =	stream.indirect.scatter.add.f32 [tilespmem:s30], [sflag:$0x4], $0x40, s20, s14, $0xb8;
	[tilespmem:$0x1C400] =	vst v63  }
0x4b: {  	_ =	swait.ge [sflag:s22], $0x3200  }
0x4c: {  	[sflag:s22] =	ssyncset.done $0x0  }
0x4d: {  	s1 =	simm.s32 $0x2A0;
	[sflag:s22] =	ssyncadd.s32 $0xFFFFCE00  }
0x4e: {  	[tilespmem:s23], [sflag:$0x2] =	stream.indirect.gather [hbm4b:s4+s14], $0x40, s1, s14, $0xb8;
	[tilespmem:$0x1C400] =	vst v63  }
0x4f: {  	s0 =	simm.s32 $0x2D8  }
0x50: {  	[tilespmem:s25], [sflag:$0x2] =	stream.indirect.gather [hbm4b:s4+s14], $0x40, s0, s14, $0xb8;
	[tilespmem:$0x1C400] =	vst v63  }
0x51: {  	s26 =	simm.s32 $0x310  }
0x52: {  	[tilespmem:s28], [sflag:$0x2] =	stream.indirect.gather [hbm4b:s4+s14], $0x40, s26, s14, $0xb8;
	[tilespmem:$0x1C400] =	vst v63  }
0x53: {  	s0 =	simm.s32 $0x348  }
0x54: {  	[tilespmem:s30], [sflag:$0x2] =	stream.indirect.gather [hbm4b:s4+s14], $0x40, s0, s14, $0xb8;
	[tilespmem:$0x1C400] =	vst v63  }
0x55: {  	_ =	swait.ge [sflag:s31], $0x3200  }
0x56: {  	[sflag:s31] =	ssyncset.done $0x0  }
0x57: {  	s26 =	simm.s32 $0x71C0;
	[sflag:s31] =	ssyncadd.s32 $0xFFFFCE00  }
0x58: {  	[spmem:s2] =	stream.indirect.scatter.add.f32 [tilespmem:s15], [sflag:$0x3], $0x40, s26, s14, $0xb8;
	[tilespmem:$0x1C400] =	vst v63  }
0x59: {  	s0 =	simm.s32 $0x71F8  }
0x5a: {  	[spmem:s2] =	stream.indirect.scatter.add.f32 [tilespmem:s17], [sflag:$0x3], $0x40, s0, s14, $0xb8;
	[tilespmem:$0x1C400] =	vst v63  }
0x5b: {  	s26 =	simm.s32 $0x7230  }
0x5c: {  	[spmem:s2] =	stream.indirect.scatter.add.f32 [tilespmem:s19], [sflag:$0x3], $0x40, s26, s14, $0xb8;
	[tilespmem:$0x1C400] =	vst v63  }
0x5d: {  	s0 =	simm.s32 $0x7268  }
0x5e: {  	[spmem:s2] =	stream.indirect.scatter.add.f32 [tilespmem:s21], [sflag:$0x3], $0x40, s0, s14, $0xb8;
	[tilespmem:$0x1C400] =	vst v63  }
0x5f: {  	_ =	swait.ge [sflag:s18], $0x3200  }
0x60: {  	[sflag:s18] =	ssyncset.done $0x0  }
0x61: {  	s26 =	simm.s32 $0x380;
	[sflag:s18] =	ssyncadd.s32 $0xFFFFCE00  }
0x62: {  	[tilespmem:s15], [sflag:$0x1] =	stream.indirect.gather [hbm4b:s4+s14], $0x40, s26, s14, $0xb8;
	[tilespmem:$0x1C400] =	vst v63  }
0x63: {  	s0 =	simm.s32 $0x3B8  }
0x64: {  	[tilespmem:s17], [sflag:$0x1] =	stream.indirect.gather [hbm4b:s4+s14], $0x40, s0, s14, $0xb8;
	[tilespmem:$0x1C400] =	vst v63  }
0x65: {  	s26 =	simm.s32 $0x3F0  }
0x66: {  	[tilespmem:s19], [sflag:$0x1] =	stream.indirect.gather [hbm4b:s4+s14], $0x40, s26, s14, $0xb8;
	[tilespmem:$0x1C400] =	vst v63  }
0x67: {  	s0 =	simm.s32 $0x428  }
0x68: {  	[tilespmem:s21], [sflag:$0x1] =	stream.indirect.gather [hbm4b:s4+s14], $0x40, s0, s14, $0xb8;
	[tilespmem:$0x1C400] =	vst v63  }
0x69: {  	_ =	swait.ge [sflag:s29], $0x3200  }
0x6a: {  	[sflag:s29] =	ssyncset.done $0x0  }
0x6b: {  	s26 =	simm.s32 $0x72A0;
	[sflag:s29] =	ssyncadd.s32 $0xFFFFCE00  }
0x6c: {  	[spmem:s2] =	stream.indirect.scatter.add.f32 [tilespmem:s23], [sflag:$0x4], $0x40, s26, s14, $0xb8;
	[tilespmem:$0x1C400] =	vst v63  }
0x6d: {  	s0 =	simm.s32 $0x72D8  }
0x6e: {  	[spmem:s2] =	stream.indirect.scatter.add.f32 [tilespmem:s25], [sflag:$0x4], $0x40, s0, s14, $0xb8;
	[tilespmem:$0x1C400] =	vst v63  }
0x6f: {  	s26 =	simm.s32 $0x7310  }
0x70: {  	[spmem:s2] =	stream.indirect.scatter.add.f32 [tilespmem:s28], [sflag:$0x4], $0x40, s26, s14, $0xb8;
	[tilespmem:$0x1C400] =	vst v63  }
0x71: {  	s1 =	simm.s32 $0x7348;
	s26 =	simm.s32 $0x700  }
.LBB2_2:
0x72: {  	[spmem:s2] =	stream.indirect.scatter.add.f32 [tilespmem:s30], [sflag:$0x4], $0x40, s1, s14, $0xb8;
	[tilespmem:$0x1C400] =	vst v63  }
0x73: {  	s1 =	smov.u32 s26;
	s26 =	sadd.s32 $0x700, s26;
	_ =	swait.ge [sflag:s22], $0x3200  }
0x74: {  	s1 =	sshra.s32 s1, $0x2;
	p0 =	sne.s32 s26, $0x1B200;
	[sflag:s22] =	ssyncset.done $0x0  }
0x75: {  	s0 =	sadd.s32 $0x2A0, s1;
	[sflag:s22] =	ssyncadd.s32 $0xFFFFCE00  }
0x76: {  	[tilespmem:s23], [sflag:$0x2] =	stream.indirect.gather [hbm4b:s4+s14], $0x40, s0, s14, $0xb8;
	[tilespmem:$0x1C400] =	vst v63  }
0x77: {  	s0 =	sadd.s32 $0x2D8, s1  }
0x78: {  	[tilespmem:s25], [sflag:$0x2] =	stream.indirect.gather [hbm4b:s4+s14], $0x40, s0, s14, $0xb8;
	[tilespmem:$0x1C400] =	vst v63  }
0x79: {  	s0 =	sadd.s32 $0x310, s1  }
0x7a: {  	[tilespmem:s28], [sflag:$0x2] =	stream.indirect.gather [hbm4b:s4+s14], $0x40, s0, s14, $0xb8;
	[tilespmem:$0x1C400] =	vst v63  }
0x7b: {  	s0 =	sadd.s32 $0x348, s1  }
0x7c: {  	[tilespmem:s30], [sflag:$0x2] =	stream.indirect.gather [hbm4b:s4+s14], $0x40, s0, s14, $0xb8;
	[tilespmem:$0x1C400] =	vst v63  }
0x7d: {  	_ =	swait.ge [sflag:s31], $0x3200  }
0x7e: {  	[sflag:s31] =	ssyncset.done $0x0  }
0x7f: {  	s0 =	sadd.s32 $0x71C0, s1;
	[sflag:s31] =	ssyncadd.s32 $0xFFFFCE00  }
0x80: {  	[spmem:s2] =	stream.indirect.scatter.add.f32 [tilespmem:s15], [sflag:$0x3], $0x40, s0, s14, $0xb8;
	[tilespmem:$0x1C400] =	vst v63  }
0x81: {  	s0 =	sadd.s32 $0x71F8, s1  }
0x82: {  	[spmem:s2] =	stream.indirect.scatter.add.f32 [tilespmem:s17], [sflag:$0x3], $0x40, s0, s14, $0xb8;
	[tilespmem:$0x1C400] =	vst v63  }
0x83: {  	s0 =	sadd.s32 $0x7230, s1  }
0x84: {  	[spmem:s2] =	stream.indirect.scatter.add.f32 [tilespmem:s19], [sflag:$0x3], $0x40, s0, s14, $0xb8;
	[tilespmem:$0x1C400] =	vst v63  }
0x85: {  	s0 =	sadd.s32 $0x7268, s1  }
0x86: {  	[spmem:s2] =	stream.indirect.scatter.add.f32 [tilespmem:s21], [sflag:$0x3], $0x40, s0, s14, $0xb8;
	[tilespmem:$0x1C400] =	vst v63  }
0x87: {  	_ =	swait.ge [sflag:s18], $0x3200  }
0x88: {  	[sflag:s18] =	ssyncset.done $0x0  }
0x89: {  	s0 =	sadd.s32 $0x380, s1;
	[sflag:s18] =	ssyncadd.s32 $0xFFFFCE00  }
0x8a: {  	[tilespmem:s15], [sflag:$0x1] =	stream.indirect.gather [hbm4b:s4+s14], $0x40, s0, s14, $0xb8;
	[tilespmem:$0x1C400] =	vst v63  }
0x8b: {  	s0 =	sadd.s32 $0x3B8, s1  }
0x8c: {  	[tilespmem:s17], [sflag:$0x1] =	stream.indirect.gather [hbm4b:s4+s14], $0x40, s0, s14, $0xb8;
	[tilespmem:$0x1C400] =	vst v63  }
0x8d: {  	s0 =	sadd.s32 $0x3F0, s1  }
0x8e: {  	[tilespmem:s19], [sflag:$0x1] =	stream.indirect.gather [hbm4b:s4+s14], $0x40, s0, s14, $0xb8;
	[tilespmem:$0x1C400] =	vst v63  }
0x8f: {  	s0 =	sadd.s32 $0x428, s1  }
0x90: {  	[tilespmem:s21], [sflag:$0x1] =	stream.indirect.gather [hbm4b:s4+s14], $0x40, s0, s14, $0xb8;
	[tilespmem:$0x1C400] =	vst v63  }
0x91: {  	_ =	swait.ge [sflag:s29], $0x3200  }
0x92: {  	[sflag:s29] =	ssyncset.done $0x0  }
0x93: {  	s0 =	sadd.s32 $0x72A0, s1;
	[sflag:s29] =	ssyncadd.s32 $0xFFFFCE00  }
0x94: {  	[spmem:s2] =	stream.indirect.scatter.add.f32 [tilespmem:s23], [sflag:$0x4], $0x40, s0, s14, $0xb8;
	[tilespmem:$0x1C400] =	vst v63  }
.Ltmp0:
0x95: {  	s0 =	sadd.s32 $0x72D8, s1;
	(pc) =	sbr.rel @p0 .LBB2_2-.Ltmp0, $4  }
0x96: {  	[spmem:s2] =	stream.indirect.scatter.add.f32 [tilespmem:s25], [sflag:$0x4], $0x40, s0, s14, $0xb8;
	[tilespmem:$0x1C400] =	vst v63  }
0x97: {  	s0 =	sadd.s32 $0x7310, s1  }
0x98: {  	[spmem:s2] =	stream.indirect.scatter.add.f32 [tilespmem:s28], [sflag:$0x4], $0x40, s0, s14, $0xb8;
	[tilespmem:$0x1C400] =	vst v63  }
0x99: {  	s1 =	sadd.s32 $0x7348, s1  }
0x9a: {  	[spmem:s2] =	stream.indirect.scatter.add.f32 [tilespmem:s30], [sflag:$0x4], $0x40, s1, s14, $0xb8;
	[tilespmem:$0x1C400] =	vst v63  }
0x9b: {  	_ =	swait.ge [sflag:s22], $0x3200  }
0x9c: {  	s0 =	sshra.s32 s26, $0x2;
	[sflag:s22] =	ssyncset.done $0x0  }
0x9d: {  	s26 =	sadd.s32 $0x2A0, s0;
	[sflag:s22] =	ssyncadd.s32 $0xFFFFCE00  }
0x9e: {  	[tilespmem:s23], [sflag:$0x2] =	stream.indirect.gather [hbm4b:s4+s14], $0x40, s26, s14, $0xb8;
	[tilespmem:$0x1C400] =	vst v63  }
0x9f: {  	s26 =	sadd.s32 $0x2D8, s0  }
0xa0: {  	[tilespmem:s25], [sflag:$0x2] =	stream.indirect.gather [hbm4b:s4+s14], $0x40, s26, s14, $0xb8;
	[tilespmem:$0x1C400] =	vst v63  }
0xa1: {  	s26 =	sadd.s32 $0x310, s0  }
0xa2: {  	[tilespmem:s28], [sflag:$0x2] =	stream.indirect.gather [hbm4b:s4+s14], $0x40, s26, s14, $0xb8;
	[tilespmem:$0x1C400] =	vst v63  }
0xa3: {  	s26 =	sadd.s32 $0x348, s0  }
0xa4: {  	[tilespmem:s30], [sflag:$0x2] =	stream.indirect.gather [hbm4b:s4+s14], $0x40, s26, s14, $0xb8;
	[tilespmem:$0x1C400] =	vst v63  }
0xa5: {  	_ =	swait.ge [sflag:s31], $0x3200  }
0xa6: {  	[sflag:s31] =	ssyncset.done $0x0  }
0xa7: {  	s26 =	sadd.s32 $0x71C0, s0;
	[sflag:s31] =	ssyncadd.s32 $0xFFFFCE00  }
0xa8: {  	[spmem:s2] =	stream.indirect.scatter.add.f32 [tilespmem:s15], [sflag:$0x3], $0x40, s26, s14, $0xb8;
	[tilespmem:$0x1C400] =	vst v63  }
0xa9: {  	s26 =	sadd.s32 $0x71F8, s0  }
0xaa: {  	[spmem:s2] =	stream.indirect.scatter.add.f32 [tilespmem:s17], [sflag:$0x3], $0x40, s26, s14, $0xb8;
	[tilespmem:$0x1C400] =	vst v63  }
0xab: {  	s26 =	sadd.s32 $0x7230, s0  }
0xac: {  	[spmem:s2] =	stream.indirect.scatter.add.f32 [tilespmem:s19], [sflag:$0x3], $0x40, s26, s14, $0xb8;
	[tilespmem:$0x1C400] =	vst v63  }
0xad: {  	s26 =	sadd.s32 $0x7268, s0  }
0xae: {  	[spmem:s2] =	stream.indirect.scatter.add.f32 [tilespmem:s21], [sflag:$0x3], $0x40, s26, s14, $0xb8;
	[tilespmem:$0x1C400] =	vst v63  }
0xaf: {  	_ =	swait.ge [sflag:s29], $0x3200  }
0xb0: {  	[sflag:s29] =	ssyncset.done $0x0  }
0xb1: {  	s26 =	sadd.s32 $0x72A0, s0;
	[sflag:s29] =	ssyncadd.s32 $0xFFFFCE00  }
0xb2: {  	[spmem:s2] =	stream.indirect.scatter.add.f32 [tilespmem:s23], [sflag:$0x4], $0x40, s26, s14, $0xb8;
	[tilespmem:$0x1C400] =	vst v63  }
0xb3: {  	s26 =	sadd.s32 $0x72D8, s0  }
0xb4: {  	[spmem:s2] =	stream.indirect.scatter.add.f32 [tilespmem:s25], [sflag:$0x4], $0x40, s26, s14, $0xb8;
	[tilespmem:$0x1C400] =	vst v63  }
0xb5: {  	s26 =	sadd.s32 $0x7310, s0  }
0xb6: {  	[spmem:s2] =	stream.indirect.scatter.add.f32 [tilespmem:s28], [sflag:$0x4], $0x40, s26, s14, $0xb8;
	[tilespmem:$0x1C400] =	vst v63  }
0xb7: {  	s0 =	sadd.s32 $0x7348, s0  }
0xb8: {  	[spmem:s2] =	stream.indirect.scatter.add.f32 [tilespmem:s30], [sflag:$0x4], $0x40, s0, s14, $0xb8;
	[tilespmem:$0x1C400] =	vst v63  }
0xb9: {  	_ =	swait.ge [sflag:s18], $0x3200  }
0xba: {  	[sflag:s18] =	ssyncset.done $0x0  }
0xbb: {  	[sflag:s18] =	ssyncadd.s32 $0xFFFFCE00  }
0xbc: {  	s24 =	sadd.s32 $0x1, s24;
	_ =	swait.ge [sflag:s22], $0x3200  }
0xbd: {  	p0 =	sne.s32 s24, s9;
	[sflag:s22] =	ssyncset.done $0x0  }
.Ltmp1:
0xbe: {  	[sflag:s22] =	ssyncadd.s32 $0xFFFFCE00;
	(pc) =	sbr.rel @p0 .LBB2_1-.Ltmp1, $4  }
0xbf: {  	[hbm:s8], [sflag:s12] =	dma.local [spmem:s13], $0x1000  }
0xc0: {  	_ =	swait.ge [sflag:s10], $0x1000  }
0xc1: {  	[sflag:s10] =	ssyncset.done $0x0  }
0xc2: {  	[sflag:s10] =	ssyncadd.s32 $0xFFFFF000  }
0xc3: {  	_ =	sfence.sel $0x180000  }
0xc4: {  	[bflag:$0x0] =	sbarrier.arrive $0xFFFF  }
0xc5: {  	_ =	strace $0x90000047  }
0xc6: {  	s0 =	stileid.u32;
	[bflag:$0x2] =	sbarrier.arrive $0xFFFF  }
0xc7: {  	p0 =	sne.s32 s0, $0x0;
	s0 =	rddreg [dreg:$0x3]  }
0xc8: {  	s0 =	sadd.s32 @!p0 $0x100000, s0  }
0xc9: {  	[sflag:s0] =	ssyncadd.tile.s32 @!p0 $0x1;
	_ =	shalt  }
.Lfunc_end2:
_tile_overlayer_lowered:
.L_overlay_start_2:
0xca: {  	(tag) =	ssettag $0x2  }
0xcb: {  	s0 =	rddreg [dreg:$0x0];
	s2 =	stileid.u32  }
0xcc: {  	s1 =	rddreg [dreg:$0x1];
	p0 =	sne.s32 s2, $0x0  }
0xcd: {  	s3 =	rddreg [dreg:$0x2];
	[bflag:$0x3] =	sbarrier.arrive $0xFFFF;
	s2 =	simm.s32 @!p0 $0x1C05  }
0xce: {  	[timem:s3], [sflag:s2] =	dma.local @!p0 [hbm:s0], s1  }
0xcf: {  	s0 =	simm.s32 @!p0 $0x5  }
0xd0: {  	_ =	swait.ge @!p0 [sflag:s0], s1  }
0xd1: {  	s1 =	ssub.s32 @!p0 $0x0, s1;
	[sflag:s0] =	ssyncset.done @!p0 $0x0  }
0xd2: {  	[sflag:s0] =	ssyncadd.s32 @!p0 s1  }
0xd3: {  	[bflag:$0x3] =	sbarrier.arrive $0xFFFF  }
0xd4: {  	_ =	shalt  }

</sc_bundles>
